<compile_context>
chip_gen: v7x
topology: tpu7x:2x2x1
jax: 0.10.2.dev20260603
libtpu: 0.0.44.dev20260713+nightly
codegen_flags: <defaults>
</compile_context>

<pallas_src>
import functools

import jax
import jax.numpy as jnp
from jax import lax
from jax.experimental import pallas as pl
from jax.experimental.pallas import tpu as pltpu
from jax.experimental.pallas import tpu_sc as plsc

N_NODES = 10000
N_FEATS = 128
ACC_ROWS = 10112
GARBAGE_ROW = 10000
NUM_CORES = 2
NUM_SUBCORES = 16
NW = NUM_CORES * NUM_SUBCORES
CHUNK = 128
BLK = 8
NBLK = 10
CHUNKS_PER_W = NBLK * BLK
ROWS_PER_TILE = ACC_ROWS // NUM_SUBCORES


def _sc_segment_sum(feature, src_c, dst_c):
    mesh = plsc.VectorSubcoreMesh(core_axis_name="c", subcore_axis_name="s")

    @functools.partial(
        pl.kernel,
        mesh=mesh,
        out_type=jax.ShapeDtypeStruct((NUM_CORES, ACC_ROWS, N_FEATS),
                                      jnp.float32),
        scratch_types=[
            pltpu.VMEM(((CHUNKS_PER_W + 2) * CHUNK,), jnp.int32),
            pltpu.VMEM((BLK, CHUNK), jnp.int32),
            pltpu.VMEM((CHUNK, N_FEATS), jnp.float32),
            pltpu.VMEM((CHUNK, N_FEATS), jnp.float32),
            pltpu.VMEM_SHARED((ACC_ROWS, N_FEATS), jnp.float32),
            pltpu.SemaphoreType.DMA,
            pltpu.SemaphoreType.DMA,
        ],
    )
    def seg_sum(feat_hbm, src_hbm, dst_hbm, out_hbm,
                src_v, dst_v, buf0, buf1, accum, sem0, sem1):
        cid = lax.axis_index("c")
        sid = lax.axis_index("s")
        wid = cid * NUM_SUBCORES + sid

        pltpu.sync_copy(src_hbm.at[wid], src_v)

        def zrow(r, carry):
            for j in range(N_FEATS // 16):
                buf0[r, pl.ds(j * 16, 16)] = jnp.zeros((16,), jnp.float32)
            return carry

        lax.fori_loop(0, CHUNK, zrow, 0)
        base = sid * ROWS_PER_TILE
        for k in range(ROWS_PER_TILE // CHUNK):
            pltpu.sync_copy(buf0, accum.at[pl.ds(base + k * CHUNK, CHUNK)])
        rem = ROWS_PER_TILE % CHUNK
        if rem:
            pltpu.sync_copy(
                buf0.at[pl.ds(0, rem)],
                accum.at[pl.ds(base + ROWS_PER_TILE - rem, rem)])
        plsc.subcore_barrier()

        def gather(g, buf, sem):
            idx = src_v.at[pl.ds(g * CHUNK, CHUNK)]
            pltpu.make_async_copy(feat_hbm.at[idx], buf, sem).start()

        def gwait(buf, sem):
            pltpu.make_async_copy(feat_hbm.at[pl.ds(0, CHUNK)], buf, sem).wait()

        gather(0, buf0, sem0)
        gather(1, buf1, sem1)

        def block(b, carry):
            pltpu.sync_copy(dst_hbm.at[wid, b], dst_v)
            for j in range(0, BLK, 2):
                g = b * BLK + j
                gwait(buf0, sem0)
                pltpu.sync_copy(buf0, accum.at[dst_v.at[j]], add=True)
                gather(g + 2, buf0, sem0)
                gwait(buf1, sem1)
                pltpu.sync_copy(buf1, accum.at[dst_v.at[j + 1]], add=True)
                gather(g + 3, buf1, sem1)
            return carry

        lax.fori_loop(0, NBLK, block, 0)
        gwait(buf0, sem0)
        gwait(buf1, sem1)

        plsc.subcore_barrier()
        pltpu.sync_copy(
            accum.at[pl.ds(base, ROWS_PER_TILE)],
            out_hbm.at[cid, pl.ds(base, ROWS_PER_TILE)])

    return seg_sum(feature, src_c, dst_c)


def _tc_linear_tanh(partials, W, b2):
    blk = ACC_ROWS // 8

    def body(p_ref, w_ref, b_ref, o_ref):
        s = p_ref[0] + p_ref[1]
        y = lax.dot_general(s, w_ref[...], (((1,), (1,)), ((), ())),
                            preferred_element_type=jnp.float32)
        o_ref[...] = jnp.tanh(y + b_ref[...])

    return pl.pallas_call(
        body,
        grid=(8,),
        in_specs=[
            pl.BlockSpec((NUM_CORES, blk, N_FEATS), lambda i: (0, i, 0)),
            pl.BlockSpec((N_FEATS, N_FEATS), lambda i: (0, 0)),
            pl.BlockSpec((1, N_FEATS), lambda i: (0, 0)),
        ],
        out_specs=pl.BlockSpec((blk, N_FEATS), lambda i: (i, 0)),
        out_shape=jax.ShapeDtypeStruct((ACC_ROWS, N_FEATS), jnp.float32),
    )(partials, W, b2)


def kernel(feature, edge_index, W, b):
    src = edge_index[0].astype(jnp.int32)
    dst = edge_index[1].astype(jnp.int32)
    n_edges = src.shape[0]
    total = NW * CHUNKS_PER_W * CHUNK
    pad = total - n_edges
    src_p = jnp.concatenate([src, jnp.zeros((pad,), jnp.int32)])
    dst_p = jnp.concatenate([dst, jnp.full((pad,), GARBAGE_ROW, jnp.int32)])
    src_c = src_p.reshape(NW, CHUNKS_PER_W * CHUNK)
    src_c = jnp.concatenate(
        [src_c, jnp.zeros((NW, 2 * CHUNK), jnp.int32)], axis=1)
    dst_c = dst_p.reshape(NW, NBLK, BLK, CHUNK)

    partials = _sc_segment_sum(feature, src_c, dst_c)
    out = _tc_linear_tanh(partials, W, b.reshape(1, N_FEATS))
    return out[:N_NODES]

# --- scband reference (transcript-rebuilt; emitter-appended) ---
"""Pipeline reference for scband-gcnlayer-15358803050718 (READ-ONLY COPY).

The authoritative reference and input builder live on the scoring server;
editing this copy changes nothing except your own understanding.
"""

import jax, jax.numpy as jnp
import numpy as np

N_NODES = 10000
N_EDGES = 320000
IN_FEATS = 128
OUT_FEATS = 128


def setup_inputs(seed: int = 0) -> dict:
    key = jax.random.key(seed)
    k1, k2, k3, k4 = jax.random.split(key, 4)
    feature = jax.random.normal(k1, (N_NODES, IN_FEATS), dtype=jnp.float32)
    edge_index = jax.random.randint(k2, (2, N_EDGES), 0, N_NODES, dtype=jnp.int64)
    # Linear layer params (PyTorch nn.Linear: W [out, in], b [out])
    bound = 1.0 / np.sqrt(IN_FEATS)
    W = jax.random.uniform(k3, (OUT_FEATS, IN_FEATS), minval=-bound, maxval=bound, dtype=jnp.float32)
    b = jax.random.uniform(k4, (OUT_FEATS,), minval=-bound, maxval=bound, dtype=jnp.float32)
    return {"feature": feature, "edge_index": edge_index, "W": W, "b": b}


def reference(feature, edge_index, W, b):
    # DGL GCNLayer: update_all(copy_src('h','m'), sum('m','h')) then Linear + tanh
    src = edge_index[0]
    dst = edge_index[1]
    # message: copy source node features along each edge (gather)
    msgs = jnp.take(feature, src, axis=0)
    # reduce: sum messages at destination nodes (scatter-add / segment_sum)
    h = jax.ops.segment_sum(msgs, dst, num_segments=feature.shape[0])
    # linear + tanh activation
    h = h @ W.T + b
    return jnp.tanh(h)

if __name__ == "__main__":
    import jax
    _d = setup_inputs()
    print(jax.jit(kernel)(*tuple(_d.values())))

</pallas_src>

<mosaic_0001>
#map = affine_map<(d0, d1) -> (0, 0)>
#map1 = affine_map<(d0, d1) -> (0, 0, 0, 0)>
#map2 = affine_map<(d0, d1) -> (0, 0, 0)>
module attributes {stable_mosaic.version = 14 : i64} {
  func.func @seg_sum(%arg0: i32, %arg1: i32, %arg2: memref<10000x128xf32, #tpu.memory_space<hbm>>, %arg3: memref<32x10496xi32, #tpu.memory_space<hbm>>, %arg4: memref<32x10x8x128xi32, #tpu.memory_space<hbm>>, %arg5: memref<2x10112x128xf32, #tpu.memory_space<hbm>>, %arg6: memref<10496xi32, #tpu.memory_space<vmem>>, %arg7: memref<8x128xi32, #tpu.memory_space<vmem>>, %arg8: memref<128x128xf32, #tpu.memory_space<vmem>>, %arg9: memref<128x128xf32, #tpu.memory_space<vmem>>, %arg10: memref<10112x128xf32, #tpu.memory_space<vmem_shared>>, %arg11: memref<!tpu.dma_semaphore, #tpu.memory_space<semaphore_mem>>, %arg12: memref<!tpu.dma_semaphore, #tpu.memory_space<semaphore_mem>>) attributes {dimension_semantics = [#tpu.dimension_semantics<core_parallel>, #tpu.dimension_semantics<subcore_parallel>], iteration_bounds = array<i64: 2, 16>, scalar_prefetch = 0 : i64, scratch_operands = 7 : i64, tpu.core_type = #tpu.core_type<sc_vector_subcore>, window_params = [{transform_indices = #map}, {transform_indices = #map}, {transform_indices = #map1}, {transform_indices = #map2}]} {
    %mul3A = arith.constant 16 : i32
    %mul3A_0 = arith.muli %arg0, %mul3A : i32
    %add3A = arith.addi %mul3A_0, %arg1 : i32
    "tpu.region"() ({
      %run_scoped3A = tpu.sem_alloc : memref<!tpu.dma_semaphore, #tpu.memory_space<semaphore_mem>>
      %dma_start3A_46 = arith.constant 0 : i32
      %dma_start3A_47 = tpu.memref_slice %arg3[%add3A, %dma_start3A_46] : memref<32x10496xi32, #tpu.memory_space<hbm>> -> memref<1x10496xi32, #tpu.memory_space<hbm>>
      %dma_start3A_48 = tpu.memref_squeeze %dma_start3A_47 : memref<1x10496xi32, #tpu.memory_space<hbm>> -> memref<10496xi32, #tpu.memory_space<hbm>>
      %dma_start3A_49 = arith.constant 0 : i32
      %dma_start3A_50 = tpu.memref_slice %arg3[%add3A, %dma_start3A_49] : memref<32x10496xi32, #tpu.memory_space<hbm>> -> memref<1x10496xi32, #tpu.memory_space<hbm>>
      %dma_start3A_51 = tpu.memref_squeeze %dma_start3A_50 : memref<1x10496xi32, #tpu.memory_space<hbm>> -> memref<10496xi32, #tpu.memory_space<hbm>>
      tpu.enqueue_dma source(%dma_start3A_51 : memref<10496xi32, #tpu.memory_space<hbm>>) target(%arg6 : memref<10496xi32, #tpu.memory_space<vmem>>) target_semaphore(%run_scoped3A : memref<!tpu.dma_semaphore, #tpu.memory_space<semaphore_mem>>)
      %dma_wait3A_52 = arith.constant 0 : i32
      %dma_wait3A_53 = tpu.memref_slice %arg3[%add3A, %dma_wait3A_52] : memref<32x10496xi32, #tpu.memory_space<hbm>> -> memref<1x10496xi32, #tpu.memory_space<hbm>>
      %dma_wait3A_54 = tpu.memref_squeeze %dma_wait3A_53 : memref<1x10496xi32, #tpu.memory_space<hbm>> -> memref<10496xi32, #tpu.memory_space<hbm>>
      %dma_wait3A_55 = arith.constant 0 : i32
      %dma_wait3A_56 = tpu.memref_slice %arg3[%add3A, %dma_wait3A_55] : memref<32x10496xi32, #tpu.memory_space<hbm>> -> memref<1x10496xi32, #tpu.memory_space<hbm>>
      %dma_wait3A_57 = tpu.memref_squeeze %dma_wait3A_56 : memref<1x10496xi32, #tpu.memory_space<hbm>> -> memref<10496xi32, #tpu.memory_space<hbm>>
      tpu.wait_dma2 semaphore(%run_scoped3A : memref<!tpu.dma_semaphore, #tpu.memory_space<semaphore_mem>>) src(%dma_wait3A_57 : memref<10496xi32, #tpu.memory_space<hbm>>) dst(%arg6 : memref<10496xi32, #tpu.memory_space<vmem>>)
      tpu.yield
    }) : () -> ()
    %scan3A = arith.constant 0 : i32
    %scan3A_1 = arith.constant 0 : i32
    %scan3A_2 = arith.constant 128 : i32
    %scan3A_3 = arith.addi %scan3A_1, %scan3A_2 : i32
    %scan3A_4 = arith.constant 1 : i32
    scf.for %scan3A_46 = %scan3A_1 to %scan3A_3 step %scan3A_4  : i32 {
      %broadcast_in_dim3A = arith.constant 0.000000e+00 : f32
      %broadcast_in_dim3A_47 = vector.broadcast %broadcast_in_dim3A : f32 to vector<16xf32>
      %swap3A = arith.index_cast %scan3A_46 : i32 to index
      %swap3A_48 = arith.constant 0 : index
      %swap3A_49 = tpu.vector_load %arg8[%swap3A, %swap3A_48] {strides = array<i32>} : memref<128x128xf32, #tpu.memory_space<vmem>>, vector<1x16xf32>,
      %swap3A_50 = vector.shape_cast %swap3A_49 : vector<1x16xf32> to vector<16xf32>
      %swap3A_51 = vector.shape_cast %broadcast_in_dim3A_47 : vector<16xf32> to vector<1x16xf32>
      tpu.vector_store %arg8[%swap3A, %swap3A_48], %swap3A_51 {strides = array<i32>} : memref<128x128xf32, #tpu.memory_space<vmem>>, vector<1x16xf32>,
      %broadcast_in_dim3A_52 = arith.constant 0.000000e+00 : f32
      %broadcast_in_dim3A_53 = vector.broadcast %broadcast_in_dim3A_52 : f32 to vector<16xf32>
      %swap3A_54 = arith.index_cast %scan3A_46 : i32 to index
      %swap3A_55 = arith.constant 16 : index
      %swap3A_56 = tpu.vector_load %arg8[%swap3A_54, %swap3A_55] {strides = array<i32>} : memref<128x128xf32, #tpu.memory_space<vmem>>, vector<1x16xf32>,
      %swap3A_57 = vector.shape_cast %swap3A_56 : vector<1x16xf32> to vector<16xf32>
      %swap3A_58 = vector.shape_cast %broadcast_in_dim3A_53 : vector<16xf32> to vector<1x16xf32>
      tpu.vector_store %arg8[%swap3A_54, %swap3A_55], %swap3A_58 {strides = array<i32>} : memref<128x128xf32, #tpu.memory_space<vmem>>, vector<1x16xf32>,
      %broadcast_in_dim3A_59 = arith.constant 0.000000e+00 : f32
      %broadcast_in_dim3A_60 = vector.broadcast %broadcast_in_dim3A_59 : f32 to vector<16xf32>
      %swap3A_61 = arith.index_cast %scan3A_46 : i32 to index
      %swap3A_62 = arith.constant 32 : index
      %swap3A_63 = tpu.vector_load %arg8[%swap3A_61, %swap3A_62] {strides = array<i32>} : memref<128x128xf32, #tpu.memory_space<vmem>>, vector<1x16xf32>,
      %swap3A_64 = vector.shape_cast %swap3A_63 : vector<1x16xf32> to vector<16xf32>
      %swap3A_65 = vector.shape_cast %broadcast_in_dim3A_60 : vector<16xf32> to vector<1x16xf32>
      tpu.vector_store %arg8[%swap3A_61, %swap3A_62], %swap3A_65 {strides = array<i32>} : memref<128x128xf32, #tpu.memory_space<vmem>>, vector<1x16xf32>,
      %broadcast_in_dim3A_66 = arith.constant 0.000000e+00 : f32
      %broadcast_in_dim3A_67 = vector.broadcast %broadcast_in_dim3A_66 : f32 to vector<16xf32>
      %swap3A_68 = arith.index_cast %scan3A_46 : i32 to index
      %swap3A_69 = arith.constant 48 : index
      %swap3A_70 = tpu.vector_load %arg8[%swap3A_68, %swap3A_69] {strides = array<i32>} : memref<128x128xf32, #tpu.memory_space<vmem>>, vector<1x16xf32>,
      %swap3A_71 = vector.shape_cast %swap3A_70 : vector<1x16xf32> to vector<16xf32>
      %swap3A_72 = vector.shape_cast %broadcast_in_dim3A_67 : vector<16xf32> to vector<1x16xf32>
      tpu.vector_store %arg8[%swap3A_68, %swap3A_69], %swap3A_72 {strides = array<i32>} : memref<128x128xf32, #tpu.memory_space<vmem>>, vector<1x16xf32>,
      %broadcast_in_dim3A_73 = arith.constant 0.000000e+00 : f32
      %broadcast_in_dim3A_74 = vector.broadcast %broadcast_in_dim3A_73 : f32 to vector<16xf32>
      %swap3A_75 = arith.index_cast %scan3A_46 : i32 to index
      %swap3A_76 = arith.constant 64 : index
      %swap3A_77 = tpu.vector_load %arg8[%swap3A_75, %swap3A_76] {strides = array<i32>} : memref<128x128xf32, #tpu.memory_space<vmem>>, vector<1x16xf32>,
      %swap3A_78 = vector.shape_cast %swap3A_77 : vector<1x16xf32> to vector<16xf32>
      %swap3A_79 = vector.shape_cast %broadcast_in_dim3A_74 : vector<16xf32> to vector<1x16xf32>
      tpu.vector_store %arg8[%swap3A_75, %swap3A_76], %swap3A_79 {strides = array<i32>} : memref<128x128xf32, #tpu.memory_space<vmem>>, vector<1x16xf32>,
      %broadcast_in_dim3A_80 = arith.constant 0.000000e+00 : f32
      %broadcast_in_dim3A_81 = vector.broadcast %broadcast_in_dim3A_80 : f32 to vector<16xf32>
      %swap3A_82 = arith.index_cast %scan3A_46 : i32 to index
      %swap3A_83 = arith.constant 80 : index
      %swap3A_84 = tpu.vector_load %arg8[%swap3A_82, %swap3A_83] {strides = array<i32>} : memref<128x128xf32, #tpu.memory_space<vmem>>, vector<1x16xf32>,
      %swap3A_85 = vector.shape_cast %swap3A_84 : vector<1x16xf32> to vector<16xf32>
      %swap3A_86 = vector.shape_cast %broadcast_in_dim3A_81 : vector<16xf32> to vector<1x16xf32>
      tpu.vector_store %arg8[%swap3A_82, %swap3A_83], %swap3A_86 {strides = array<i32>} : memref<128x128xf32, #tpu.memory_space<vmem>>, vector<1x16xf32>,
      %broadcast_in_dim3A_87 = arith.constant 0.000000e+00 : f32
      %broadcast_in_dim3A_88 = vector.broadcast %broadcast_in_dim3A_87 : f32 to vector<16xf32>
      %swap3A_89 = arith.index_cast %scan3A_46 : i32 to index
      %swap3A_90 = arith.constant 96 : index
      %swap3A_91 = tpu.vector_load %arg8[%swap3A_89, %swap3A_90] {strides = array<i32>} : memref<128x128xf32, #tpu.memory_space<vmem>>, vector<1x16xf32>,
      %swap3A_92 = vector.shape_cast %swap3A_91 : vector<1x16xf32> to vector<16xf32>
      %swap3A_93 = vector.shape_cast %broadcast_in_dim3A_88 : vector<16xf32> to vector<1x16xf32>
      tpu.vector_store %arg8[%swap3A_89, %swap3A_90], %swap3A_93 {strides = array<i32>} : memref<128x128xf32, #tpu.memory_space<vmem>>, vector<1x16xf32>,
      %broadcast_in_dim3A_94 = arith.constant 0.000000e+00 : f32
      %broadcast_in_dim3A_95 = vector.broadcast %broadcast_in_dim3A_94 : f32 to vector<16xf32>
      %swap3A_96 = arith.index_cast %scan3A_46 : i32 to index
      %swap3A_97 = arith.constant 112 : index
      %swap3A_98 = tpu.vector_load %arg8[%swap3A_96, %swap3A_97] {strides = array<i32>} : memref<128x128xf32, #tpu.memory_space<vmem>>, vector<1x16xf32>,
      %swap3A_99 = vector.shape_cast %swap3A_98 : vector<1x16xf32> to vector<16xf32>
      %swap3A_100 = vector.shape_cast %broadcast_in_dim3A_95 : vector<16xf32> to vector<1x16xf32>
      tpu.vector_store %arg8[%swap3A_96, %swap3A_97], %swap3A_100 {strides = array<i32>} : memref<128x128xf32, #tpu.memory_space<vmem>>, vector<1x16xf32>,
    }
    %scan3A_5 = arith.constant 128 : i32
    %mul3A_6 = arith.constant 632 : i32
    %mul3A_7 = arith.muli %arg1, %mul3A_6 : i32
    %add3A_8 = arith.constant 0 : i32
    %add3A_9 = arith.addi %mul3A_7, %add3A_8 : i32
    "tpu.region"() ({
      %run_scoped3A = tpu.sem_alloc : memref<!tpu.dma_semaphore, #tpu.memory_space<semaphore_mem>>
      %dma_start3A_46 = arith.constant 0 : i32
      %dma_start3A_47 = tpu.memref_slice %arg10[%add3A_9, %dma_start3A_46] : memref<10112x128xf32, #tpu.memory_space<vmem_shared>> -> memref<128x128xf32, #tpu.memory_space<vmem_shared>>
      %dma_start3A_48 = arith.constant 0 : i32
      %dma_start3A_49 = tpu.memref_slice %arg10[%add3A_9, %dma_start3A_48] : memref<10112x128xf32, #tpu.memory_space<vmem_shared>> -> memref<128x128xf32, #tpu.memory_space<vmem_shared>>
      tpu.enqueue_dma source(%arg8 : memref<128x128xf32, #tpu.memory_space<vmem>>) target(%dma_start3A_49 : memref<128x128xf32, #tpu.memory_space<vmem_shared>>) target_semaphore(%run_scoped3A : memref<!tpu.dma_semaphore, #tpu.memory_space<semaphore_mem>>)
      %dma_wait3A_50 = arith.constant 0 : i32
      %dma_wait3A_51 = tpu.memref_slice %arg10[%add3A_9, %dma_wait3A_50] : memref<10112x128xf32, #tpu.memory_space<vmem_shared>> -> memref<128x128xf32, #tpu.memory_space<vmem_shared>>
      %dma_wait3A_52 = arith.constant 0 : i32
      %dma_wait3A_53 = tpu.memref_slice %arg10[%add3A_9, %dma_wait3A_52] : memref<10112x128xf32, #tpu.memory_space<vmem_shared>> -> memref<128x128xf32, #tpu.memory_space<vmem_shared>>
      tpu.wait_dma2 semaphore(%run_scoped3A : memref<!tpu.dma_semaphore, #tpu.memory_space<semaphore_mem>>) src(%arg8 : memref<128x128xf32, #tpu.memory_space<vmem>>) dst(%dma_wait3A_53 : memref<128x128xf32, #tpu.memory_space<vmem_shared>>)
      tpu.yield
    }) : () -> ()
    %add3A_10 = arith.constant 128 : i32
    %add3A_11 = arith.addi %mul3A_7, %add3A_10 : i32
    "tpu.region"() ({
      %run_scoped3A = tpu.sem_alloc : memref<!tpu.dma_semaphore, #tpu.memory_space<semaphore_mem>>
      %dma_start3A_46 = arith.constant 0 : i32
      %dma_start3A_47 = tpu.memref_slice %arg10[%add3A_11, %dma_start3A_46] : memref<10112x128xf32, #tpu.memory_space<vmem_shared>> -> memref<128x128xf32, #tpu.memory_space<vmem_shared>>
      %dma_start3A_48 = arith.constant 0 : i32
      %dma_start3A_49 = tpu.memref_slice %arg10[%add3A_11, %dma_start3A_48] : memref<10112x128xf32, #tpu.memory_space<vmem_shared>> -> memref<128x128xf32, #tpu.memory_space<vmem_shared>>
      tpu.enqueue_dma source(%arg8 : memref<128x128xf32, #tpu.memory_space<vmem>>) target(%dma_start3A_49 : memref<128x128xf32, #tpu.memory_space<vmem_shared>>) target_semaphore(%run_scoped3A : memref<!tpu.dma_semaphore, #tpu.memory_space<semaphore_mem>>)
      %dma_wait3A_50 = arith.constant 0 : i32
      %dma_wait3A_51 = tpu.memref_slice %arg10[%add3A_11, %dma_wait3A_50] : memref<10112x128xf32, #tpu.memory_space<vmem_shared>> -> memref<128x128xf32, #tpu.memory_space<vmem_shared>>
      %dma_wait3A_52 = arith.constant 0 : i32
      %dma_wait3A_53 = tpu.memref_slice %arg10[%add3A_11, %dma_wait3A_52] : memref<10112x128xf32, #tpu.memory_space<vmem_shared>> -> memref<128x128xf32, #tpu.memory_space<vmem_shared>>
      tpu.wait_dma2 semaphore(%run_scoped3A : memref<!tpu.dma_semaphore, #tpu.memory_space<semaphore_mem>>) src(%arg8 : memref<128x128xf32, #tpu.memory_space<vmem>>) dst(%dma_wait3A_53 : memref<128x128xf32, #tpu.memory_space<vmem_shared>>)
      tpu.yield
    }) : () -> ()
    %add3A_12 = arith.constant 256 : i32
    %add3A_13 = arith.addi %mul3A_7, %add3A_12 : i32
    "tpu.region"() ({
      %run_scoped3A = tpu.sem_alloc : memref<!tpu.dma_semaphore, #tpu.memory_space<semaphore_mem>>
      %dma_start3A_46 = arith.constant 0 : i32
      %dma_start3A_47 = tpu.memref_slice %arg10[%add3A_13, %dma_start3A_46] : memref<10112x128xf32, #tpu.memory_space<vmem_shared>> -> memref<128x128xf32, #tpu.memory_space<vmem_shared>>
      %dma_start3A_48 = arith.constant 0 : i32
      %dma_start3A_49 = tpu.memref_slice %arg10[%add3A_13, %dma_start3A_48] : memref<10112x128xf32, #tpu.memory_space<vmem_shared>> -> memref<128x128xf32, #tpu.memory_space<vmem_shared>>
      tpu.enqueue_dma source(%arg8 : memref<128x128xf32, #tpu.memory_space<vmem>>) target(%dma_start3A_49 : memref<128x128xf32, #tpu.memory_space<vmem_shared>>) target_semaphore(%run_scoped3A : memref<!tpu.dma_semaphore, #tpu.memory_space<semaphore_mem>>)
      %dma_wait3A_50 = arith.constant 0 : i32
      %dma_wait3A_51 = tpu.memref_slice %arg10[%add3A_13, %dma_wait3A_50] : memref<10112x128xf32, #tpu.memory_space<vmem_shared>> -> memref<128x128xf32, #tpu.memory_space<vmem_shared>>
      %dma_wait3A_52 = arith.constant 0 : i32
      %dma_wait3A_53 = tpu.memref_slice %arg10[%add3A_13, %dma_wait3A_52] : memref<10112x128xf32, #tpu.memory_space<vmem_shared>> -> memref<128x128xf32, #tpu.memory_space<vmem_shared>>
      tpu.wait_dma2 semaphore(%run_scoped3A : memref<!tpu.dma_semaphore, #tpu.memory_space<semaphore_mem>>) src(%arg8 : memref<128x128xf32, #tpu.memory_space<vmem>>) dst(%dma_wait3A_53 : memref<128x128xf32, #tpu.memory_space<vmem_shared>>)
      tpu.yield
    }) : () -> ()
    %add3A_14 = arith.constant 384 : i32
    %add3A_15 = arith.addi %mul3A_7, %add3A_14 : i32
    "tpu.region"() ({
      %run_scoped3A = tpu.sem_alloc : memref<!tpu.dma_semaphore, #tpu.memory_space<semaphore_mem>>
      %dma_start3A_46 = arith.constant 0 : i32
      %dma_start3A_47 = tpu.memref_slice %arg10[%add3A_15, %dma_start3A_46] : memref<10112x128xf32, #tpu.memory_space<vmem_shared>> -> memref<128x128xf32, #tpu.memory_space<vmem_shared>>
      %dma_start3A_48 = arith.constant 0 : i32
      %dma_start3A_49 = tpu.memref_slice %arg10[%add3A_15, %dma_start3A_48] : memref<10112x128xf32, #tpu.memory_space<vmem_shared>> -> memref<128x128xf32, #tpu.memory_space<vmem_shared>>
      tpu.enqueue_dma source(%arg8 : memref<128x128xf32, #tpu.memory_space<vmem>>) target(%dma_start3A_49 : memref<128x128xf32, #tpu.memory_space<vmem_shared>>) target_semaphore(%run_scoped3A : memref<!tpu.dma_semaphore, #tpu.memory_space<semaphore_mem>>)
      %dma_wait3A_50 = arith.constant 0 : i32
      %dma_wait3A_51 = tpu.memref_slice %arg10[%add3A_15, %dma_wait3A_50] : memref<10112x128xf32, #tpu.memory_space<vmem_shared>> -> memref<128x128xf32, #tpu.memory_space<vmem_shared>>
      %dma_wait3A_52 = arith.constant 0 : i32
      %dma_wait3A_53 = tpu.memref_slice %arg10[%add3A_15, %dma_wait3A_52] : memref<10112x128xf32, #tpu.memory_space<vmem_shared>> -> memref<128x128xf32, #tpu.memory_space<vmem_shared>>
      tpu.wait_dma2 semaphore(%run_scoped3A : memref<!tpu.dma_semaphore, #tpu.memory_space<semaphore_mem>>) src(%arg8 : memref<128x128xf32, #tpu.memory_space<vmem>>) dst(%dma_wait3A_53 : memref<128x128xf32, #tpu.memory_space<vmem_shared>>)
      tpu.yield
    }) : () -> ()
    %add3A_16 = arith.constant 632 : i32
    %add3A_17 = arith.addi %mul3A_7, %add3A_16 : i32
    %sub3A = arith.constant 120 : i32
    %sub3A_18 = arith.subi %add3A_17, %sub3A : i32
    "tpu.region"() ({
      %run_scoped3A = tpu.sem_alloc : memref<!tpu.dma_semaphore, #tpu.memory_space<semaphore_mem>>
      %dma_start3A_46 = arith.constant 0 : i32
      %dma_start3A_47 = arith.constant 0 : i32
      %dma_start3A_48 = tpu.memref_slice %arg8[%dma_start3A_46, %dma_start3A_47] : memref<128x128xf32, #tpu.memory_space<vmem>> -> memref<120x128xf32, #tpu.memory_space<vmem>>
      %dma_start3A_49 = arith.constant 0 : i32
      %dma_start3A_50 = tpu.memref_slice %arg10[%sub3A_18, %dma_start3A_49] : memref<10112x128xf32, #tpu.memory_space<vmem_shared>> -> memref<120x128xf32, #tpu.memory_space<vmem_shared>>
      %dma_start3A_51 = arith.constant 0 : i32
      %dma_start3A_52 = tpu.memref_slice %arg10[%sub3A_18, %dma_start3A_51] : memref<10112x128xf32, #tpu.memory_space<vmem_shared>> -> memref<120x128xf32, #tpu.memory_space<vmem_shared>>
      %dma_start3A_53 = arith.constant 0 : i32
      %dma_start3A_54 = arith.constant 0 : i32
      %dma_start3A_55 = tpu.memref_slice %arg8[%dma_start3A_53, %dma_start3A_54] : memref<128x128xf32, #tpu.memory_space<vmem>> -> memref<120x128xf32, #tpu.memory_space<vmem>>
      tpu.enqueue_dma source(%dma_start3A_55 : memref<120x128xf32, #tpu.memory_space<vmem>>) target(%dma_start3A_52 : memref<120x128xf32, #tpu.memory_space<vmem_shared>>) target_semaphore(%run_scoped3A : memref<!tpu.dma_semaphore, #tpu.memory_space<semaphore_mem>>)
      %dma_wait3A_56 = arith.constant 0 : i32
      %dma_wait3A_57 = arith.constant 0 : i32
      %dma_wait3A_58 = tpu.memref_slice %arg8[%dma_wait3A_56, %dma_wait3A_57] : memref<128x128xf32, #tpu.memory_space<vmem>> -> memref<120x128xf32, #tpu.memory_space<vmem>>
      %dma_wait3A_59 = arith.constant 0 : i32
      %dma_wait3A_60 = tpu.memref_slice %arg10[%sub3A_18, %dma_wait3A_59] : memref<10112x128xf32, #tpu.memory_space<vmem_shared>> -> memref<120x128xf32, #tpu.memory_space<vmem_shared>>
      %dma_wait3A_61 = arith.constant 0 : i32
      %dma_wait3A_62 = tpu.memref_slice %arg10[%sub3A_18, %dma_wait3A_61] : memref<10112x128xf32, #tpu.memory_space<vmem_shared>> -> memref<120x128xf32, #tpu.memory_space<vmem_shared>>
      %dma_wait3A_63 = arith.constant 0 : i32
      %dma_wait3A_64 = arith.constant 0 : i32
      %dma_wait3A_65 = tpu.memref_slice %arg8[%dma_wait3A_63, %dma_wait3A_64] : memref<128x128xf32, #tpu.memory_space<vmem>> -> memref<120x128xf32, #tpu.memory_space<vmem>>
      tpu.wait_dma2 semaphore(%run_scoped3A : memref<!tpu.dma_semaphore, #tpu.memory_space<semaphore_mem>>) src(%dma_wait3A_65 : memref<120x128xf32, #tpu.memory_space<vmem>>) dst(%dma_wait3A_62 : memref<120x128xf32, #tpu.memory_space<vmem_shared>>)
      tpu.yield
    }) : () -> ()
    %barrier3A = arith.constant 0 : index
    tpu.barrier barrier_id(%barrier3A)
    %dma_start3A = arith.constant 0 : i32
    %dma_start3A_19 = tpu.memref_slice %arg6[%dma_start3A] : memref<10496xi32, #tpu.memory_space<vmem>> -> memref<128xi32, #tpu.memory_space<vmem>>
    %dma_start3A_20 = arith.constant 0 : i32
    %dma_start3A_21 = arith.constant 0 : i32
    %dma_start3A_22 = tpu.memref_slice %arg2[%dma_start3A_20, %dma_start3A_21] : memref<10000x128xf32, #tpu.memory_space<hbm>> -> memref<10000x128xf32, #tpu.memory_space<hbm>>
    tpu.enqueue_indirect_dma source(%dma_start3A_22 : memref<10000x128xf32, #tpu.memory_space<hbm>>) target(%arg8 : memref<128x128xf32, #tpu.memory_space<vmem>>) offsets(%dma_start3A_19 : memref<128xi32, #tpu.memory_space<vmem>>) semaphore(%arg11 : memref<!tpu.dma_semaphore, #tpu.memory_space<semaphore_mem>>)
    %dma_start3A_23 = arith.constant 128 : i32
    %dma_start3A_24 = tpu.memref_slice %arg6[%dma_start3A_23] : memref<10496xi32, #tpu.memory_space<vmem>> -> memref<128xi32, #tpu.memory_space<vmem>>
    %dma_start3A_25 = arith.constant 0 : i32
    %dma_start3A_26 = arith.constant 0 : i32
    %dma_start3A_27 = tpu.memref_slice %arg2[%dma_start3A_25, %dma_start3A_26] : memref<10000x128xf32, #tpu.memory_space<hbm>> -> memref<10000x128xf32, #tpu.memory_space<hbm>>
    tpu.enqueue_indirect_dma source(%dma_start3A_27 : memref<10000x128xf32, #tpu.memory_space<hbm>>) target(%arg9 : memref<128x128xf32, #tpu.memory_space<vmem>>) offsets(%dma_start3A_24 : memref<128xi32, #tpu.memory_space<vmem>>) semaphore(%arg12 : memref<!tpu.dma_semaphore, #tpu.memory_space<semaphore_mem>>)
    %scan3A_28 = arith.constant 0 : i32
    %scan3A_29 = arith.constant 0 : i32
    %scan3A_30 = arith.constant 10 : i32
    %scan3A_31 = arith.addi %scan3A_29, %scan3A_30 : i32
    %scan3A_32 = arith.constant 1 : i32
    scf.for %scan3A_46 = %scan3A_29 to %scan3A_31 step %scan3A_32  : i32 {
      "tpu.region"() ({
        %run_scoped3A_182 = tpu.sem_alloc : memref<!tpu.dma_semaphore, #tpu.memory_space<semaphore_mem>>
        %dma_start3A_183 = arith.constant 0 : i32
        %dma_start3A_184 = arith.constant 0 : i32
        %dma_start3A_185 = tpu.memref_slice %arg4[%add3A, %scan3A_46, %dma_start3A_183, %dma_start3A_184] : memref<32x10x8x128xi32, #tpu.memory_space<hbm>> -> memref<1x1x8x128xi32, #tpu.memory_space<hbm>>
        %dma_start3A_186 = tpu.memref_squeeze %dma_start3A_185 : memref<1x1x8x128xi32, #tpu.memory_space<hbm>> -> memref<8x128xi32, #tpu.memory_space<hbm>>
        %dma_start3A_187 = arith.constant 0 : i32
        %dma_start3A_188 = arith.constant 0 : i32
        %dma_start3A_189 = tpu.memref_slice %arg4[%add3A, %scan3A_46, %dma_start3A_187, %dma_start3A_188] : memref<32x10x8x128xi32, #tpu.memory_space<hbm>> -> memref<1x1x8x128xi32, #tpu.memory_space<hbm>>
        %dma_start3A_190 = tpu.memref_squeeze %dma_start3A_189 : memref<1x1x8x128xi32, #tpu.memory_space<hbm>> -> memref<8x128xi32, #tpu.memory_space<hbm>>
        tpu.enqueue_dma source(%dma_start3A_190 : memref<8x128xi32, #tpu.memory_space<hbm>>) target(%arg7 : memref<8x128xi32, #tpu.memory_space<vmem>>) target_semaphore(%run_scoped3A_182 : memref<!tpu.dma_semaphore, #tpu.memory_space<semaphore_mem>>)
        %dma_wait3A_191 = arith.constant 0 : i32
        %dma_wait3A_192 = arith.constant 0 : i32
        %dma_wait3A_193 = tpu.memref_slice %arg4[%add3A, %scan3A_46, %dma_wait3A_191, %dma_wait3A_192] : memref<32x10x8x128xi32, #tpu.memory_space<hbm>> -> memref<1x1x8x128xi32, #tpu.memory_space<hbm>>
        %dma_wait3A_194 = tpu.memref_squeeze %dma_wait3A_193 : memref<1x1x8x128xi32, #tpu.memory_space<hbm>> -> memref<8x128xi32, #tpu.memory_space<hbm>>
        %dma_wait3A_195 = arith.constant 0 : i32
        %dma_wait3A_196 = arith.constant 0 : i32
        %dma_wait3A_197 = tpu.memref_slice %arg4[%add3A, %scan3A_46, %dma_wait3A_195, %dma_wait3A_196] : memref<32x10x8x128xi32, #tpu.memory_space<hbm>> -> memref<1x1x8x128xi32, #tpu.memory_space<hbm>>
        %dma_wait3A_198 = tpu.memref_squeeze %dma_wait3A_197 : memref<1x1x8x128xi32, #tpu.memory_space<hbm>> -> memref<8x128xi32, #tpu.memory_space<hbm>>
        tpu.wait_dma2 semaphore(%run_scoped3A_182 : memref<!tpu.dma_semaphore, #tpu.memory_space<semaphore_mem>>) src(%dma_wait3A_198 : memref<8x128xi32, #tpu.memory_space<hbm>>) dst(%arg7 : memref<8x128xi32, #tpu.memory_space<vmem>>)
        tpu.yield
      }) : () -> ()
      %mul3A_47 = arith.constant 8 : i32
      %mul3A_48 = arith.muli %scan3A_46, %mul3A_47 : i32
      %add3A_49 = arith.constant 0 : i32
      %add3A_50 = arith.addi %mul3A_48, %add3A_49 : i32
      %dma_wait3A_51 = arith.constant 0 : i32
      %dma_wait3A_52 = arith.constant 0 : i32
      %dma_wait3A_53 = tpu.memref_slice %arg2[%dma_wait3A_51, %dma_wait3A_52] : memref<10000x128xf32, #tpu.memory_space<hbm>> -> memref<128x128xf32, #tpu.memory_space<hbm>>
      %dma_wait3A_54 = arith.constant 0 : i32
      %dma_wait3A_55 = arith.constant 0 : i32
      %dma_wait3A_56 = tpu.memref_slice %arg2[%dma_wait3A_54, %dma_wait3A_55] : memref<10000x128xf32, #tpu.memory_space<hbm>> -> memref<128x128xf32, #tpu.memory_space<hbm>>
      tpu.wait_dma2 semaphore(%arg11 : memref<!tpu.dma_semaphore, #tpu.memory_space<semaphore_mem>>) src(%dma_wait3A_56 : memref<128x128xf32, #tpu.memory_space<hbm>>) dst(%arg8 : memref<128x128xf32, #tpu.memory_space<vmem>>)
      %run_scoped3A = arith.constant 0 : i32
      "tpu.region"() ({
        %run_scoped3A_182 = tpu.sem_alloc : memref<!tpu.dma_semaphore, #tpu.memory_space<semaphore_mem>>
        %dma_start3A_183 = arith.constant 0 : i32
        %dma_start3A_184 = tpu.memref_slice %arg7[%run_scoped3A, %dma_start3A_183] : memref<8x128xi32, #tpu.memory_space<vmem>> -> memref<1x128xi32, #tpu.memory_space<vmem>>
        %dma_start3A_185 = tpu.memref_squeeze %dma_start3A_184 : memref<1x128xi32, #tpu.memory_space<vmem>> -> memref<128xi32, #tpu.memory_space<vmem>>
        %dma_start3A_186 = arith.constant 0 : i32
        %dma_start3A_187 = arith.constant 0 : i32
        %dma_start3A_188 = tpu.memref_slice %arg10[%dma_start3A_186, %dma_start3A_187] : memref<10112x128xf32, #tpu.memory_space<vmem_shared>> -> memref<10112x128xf32, #tpu.memory_space<vmem_shared>>
        tpu.enqueue_indirect_dma source(%arg8 : memref<128x128xf32, #tpu.memory_space<vmem>>) target(%dma_start3A_188 : memref<10112x128xf32, #tpu.memory_space<vmem_shared>>) offsets(%dma_start3A_185 : memref<128xi32, #tpu.memory_space<vmem>>) semaphore(%run_scoped3A_182 : memref<!tpu.dma_semaphore, #tpu.memory_space<semaphore_mem>>) {add = true}
        %dma_wait3A_189 = arith.constant 0 : i32
        %dma_wait3A_190 = tpu.memref_slice %arg7[%run_scoped3A, %dma_wait3A_189] : memref<8x128xi32, #tpu.memory_space<vmem>> -> memref<1x128xi32, #tpu.memory_space<vmem>>
        %dma_wait3A_191 = tpu.memref_squeeze %dma_wait3A_190 : memref<1x128xi32, #tpu.memory_space<vmem>> -> memref<128xi32, #tpu.memory_space<vmem>>
        %dma_wait3A_192 = arith.constant 0 : i32
        %dma_wait3A_193 = arith.constant 0 : i32
        %dma_wait3A_194 = tpu.memref_slice %arg10[%dma_wait3A_192, %dma_wait3A_193] : memref<10112x128xf32, #tpu.memory_space<vmem_shared>> -> memref<10112x128xf32, #tpu.memory_space<vmem_shared>>
        tpu.wait_indirect_dma semaphore(%run_scoped3A_182 : memref<!tpu.dma_semaphore, #tpu.memory_space<semaphore_mem>>) src(%arg8 : memref<128x128xf32, #tpu.memory_space<vmem>>) dst(%dma_wait3A_194 : memref<10112x128xf32, #tpu.memory_space<vmem_shared>>)
        tpu.yield
      }) : () -> ()
      %add3A_57 = arith.constant 2 : i32
      %add3A_58 = arith.addi %add3A_50, %add3A_57 : i32
      %mul3A_59 = arith.constant 128 : i32
      %mul3A_60 = arith.muli %add3A_58, %mul3A_59 : i32
      %dma_start3A_61 = tpu.memref_slice %arg6[%mul3A_60] : memref<10496xi32, #tpu.memory_space<vmem>> -> memref<128xi32, #tpu.memory_space<vmem>>
      %dma_start3A_62 = arith.constant 0 : i32
      %dma_start3A_63 = arith.constant 0 : i32
      %dma_start3A_64 = tpu.memref_slice %arg2[%dma_start3A_62, %dma_start3A_63] : memref<10000x128xf32, #tpu.memory_space<hbm>> -> memref<10000x128xf32, #tpu.memory_space<hbm>>
      tpu.enqueue_indirect_dma source(%dma_start3A_64 : memref<10000x128xf32, #tpu.memory_space<hbm>>) target(%arg8 : memref<128x128xf32, #tpu.memory_space<vmem>>) offsets(%dma_start3A_61 : memref<128xi32, #tpu.memory_space<vmem>>) semaphore(%arg11 : memref<!tpu.dma_semaphore, #tpu.memory_space<semaphore_mem>>)
      %dma_wait3A_65 = arith.constant 0 : i32
      %dma_wait3A_66 = arith.constant 0 : i32
      %dma_wait3A_67 = tpu.memref_slice %arg2[%dma_wait3A_65, %dma_wait3A_66] : memref<10000x128xf32, #tpu.memory_space<hbm>> -> memref<128x128xf32, #tpu.memory_space<hbm>>
      %dma_wait3A_68 = arith.constant 0 : i32
      %dma_wait3A_69 = arith.constant 0 : i32
      %dma_wait3A_70 = tpu.memref_slice %arg2[%dma_wait3A_68, %dma_wait3A_69] : memref<10000x128xf32, #tpu.memory_space<hbm>> -> memref<128x128xf32, #tpu.memory_space<hbm>>
      tpu.wait_dma2 semaphore(%arg12 : memref<!tpu.dma_semaphore, #tpu.memory_space<semaphore_mem>>) src(%dma_wait3A_70 : memref<128x128xf32, #tpu.memory_space<hbm>>) dst(%arg9 : memref<128x128xf32, #tpu.memory_space<vmem>>)
      %run_scoped3A_71 = arith.constant 1 : i32
      "tpu.region"() ({
        %run_scoped3A_182 = tpu.sem_alloc : memref<!tpu.dma_semaphore, #tpu.memory_space<semaphore_mem>>
        %dma_start3A_183 = arith.constant 0 : i32
        %dma_start3A_184 = tpu.memref_slice %arg7[%run_scoped3A_71, %dma_start3A_183] : memref<8x128xi32, #tpu.memory_space<vmem>> -> memref<1x128xi32, #tpu.memory_space<vmem>>
        %dma_start3A_185 = tpu.memref_squeeze %dma_start3A_184 : memref<1x128xi32, #tpu.memory_space<vmem>> -> memref<128xi32, #tpu.memory_space<vmem>>
        %dma_start3A_186 = arith.constant 0 : i32
        %dma_start3A_187 = arith.constant 0 : i32
        %dma_start3A_188 = tpu.memref_slice %arg10[%dma_start3A_186, %dma_start3A_187] : memref<10112x128xf32, #tpu.memory_space<vmem_shared>> -> memref<10112x128xf32, #tpu.memory_space<vmem_shared>>
        tpu.enqueue_indirect_dma source(%arg9 : memref<128x128xf32, #tpu.memory_space<vmem>>) target(%dma_start3A_188 : memref<10112x128xf32, #tpu.memory_space<vmem_shared>>) offsets(%dma_start3A_185 : memref<128xi32, #tpu.memory_space<vmem>>) semaphore(%run_scoped3A_182 : memref<!tpu.dma_semaphore, #tpu.memory_space<semaphore_mem>>) {add = true}
        %dma_wait3A_189 = arith.constant 0 : i32
        %dma_wait3A_190 = tpu.memref_slice %arg7[%run_scoped3A_71, %dma_wait3A_189] : memref<8x128xi32, #tpu.memory_space<vmem>> -> memref<1x128xi32, #tpu.memory_space<vmem>>
        %dma_wait3A_191 = tpu.memref_squeeze %dma_wait3A_190 : memref<1x128xi32, #tpu.memory_space<vmem>> -> memref<128xi32, #tpu.memory_space<vmem>>
        %dma_wait3A_192 = arith.constant 0 : i32
        %dma_wait3A_193 = arith.constant 0 : i32
        %dma_wait3A_194 = tpu.memref_slice %arg10[%dma_wait3A_192, %dma_wait3A_193] : memref<10112x128xf32, #tpu.memory_space<vmem_shared>> -> memref<10112x128xf32, #tpu.memory_space<vmem_shared>>
        tpu.wait_indirect_dma semaphore(%run_scoped3A_182 : memref<!tpu.dma_semaphore, #tpu.memory_space<semaphore_mem>>) src(%arg9 : memref<128x128xf32, #tpu.memory_space<vmem>>) dst(%dma_wait3A_194 : memref<10112x128xf32, #tpu.memory_space<vmem_shared>>)
        tpu.yield
      }) : () -> ()
      %add3A_72 = arith.constant 3 : i32
      %add3A_73 = arith.addi %add3A_50, %add3A_72 : i32
      %mul3A_74 = arith.constant 128 : i32
      %mul3A_75 = arith.muli %add3A_73, %mul3A_74 : i32
      %dma_start3A_76 = tpu.memref_slice %arg6[%mul3A_75] : memref<10496xi32, #tpu.memory_space<vmem>> -> memref<128xi32, #tpu.memory_space<vmem>>
      %dma_start3A_77 = arith.constant 0 : i32
      %dma_start3A_78 = arith.constant 0 : i32
      %dma_start3A_79 = tpu.memref_slice %arg2[%dma_start3A_77, %dma_start3A_78] : memref<10000x128xf32, #tpu.memory_space<hbm>> -> memref<10000x128xf32, #tpu.memory_space<hbm>>
      tpu.enqueue_indirect_dma source(%dma_start3A_79 : memref<10000x128xf32, #tpu.memory_space<hbm>>) target(%arg9 : memref<128x128xf32, #tpu.memory_space<vmem>>) offsets(%dma_start3A_76 : memref<128xi32, #tpu.memory_space<vmem>>) semaphore(%arg12 : memref<!tpu.dma_semaphore, #tpu.memory_space<semaphore_mem>>)
      %mul3A_80 = arith.constant 8 : i32
      %mul3A_81 = arith.muli %scan3A_46, %mul3A_80 : i32
      %add3A_82 = arith.constant 2 : i32
      %add3A_83 = arith.addi %mul3A_81, %add3A_82 : i32
      %dma_wait3A_84 = arith.constant 0 : i32
      %dma_wait3A_85 = arith.constant 0 : i32
      %dma_wait3A_86 = tpu.memref_slice %arg2[%dma_wait3A_84, %dma_wait3A_85] : memref<10000x128xf32, #tpu.memory_space<hbm>> -> memref<128x128xf32, #tpu.memory_space<hbm>>
      %dma_wait3A_87 = arith.constant 0 : i32
      %dma_wait3A_88 = arith.constant 0 : i32
      %dma_wait3A_89 = tpu.memref_slice %arg2[%dma_wait3A_87, %dma_wait3A_88] : memref<10000x128xf32, #tpu.memory_space<hbm>> -> memref<128x128xf32, #tpu.memory_space<hbm>>
      tpu.wait_dma2 semaphore(%arg11 : memref<!tpu.dma_semaphore, #tpu.memory_space<semaphore_mem>>) src(%dma_wait3A_89 : memref<128x128xf32, #tpu.memory_space<hbm>>) dst(%arg8 : memref<128x128xf32, #tpu.memory_space<vmem>>)
      %run_scoped3A_90 = arith.constant 2 : i32
      "tpu.region"() ({
        %run_scoped3A_182 = tpu.sem_alloc : memref<!tpu.dma_semaphore, #tpu.memory_space<semaphore_mem>>
        %dma_start3A_183 = arith.constant 0 : i32
        %dma_start3A_184 = tpu.memref_slice %arg7[%run_scoped3A_90, %dma_start3A_183] : memref<8x128xi32, #tpu.memory_space<vmem>> -> memref<1x128xi32, #tpu.memory_space<vmem>>
        %dma_start3A_185 = tpu.memref_squeeze %dma_start3A_184 : memref<1x128xi32, #tpu.memory_space<vmem>> -> memref<128xi32, #tpu.memory_space<vmem>>
        %dma_start3A_186 = arith.constant 0 : i32
        %dma_start3A_187 = arith.constant 0 : i32
        %dma_start3A_188 = tpu.memref_slice %arg10[%dma_start3A_186, %dma_start3A_187] : memref<10112x128xf32, #tpu.memory_space<vmem_shared>> -> memref<10112x128xf32, #tpu.memory_space<vmem_shared>>
        tpu.enqueue_indirect_dma source(%arg8 : memref<128x128xf32, #tpu.memory_space<vmem>>) target(%dma_start3A_188 : memref<10112x128xf32, #tpu.memory_space<vmem_shared>>) offsets(%dma_start3A_185 : memref<128xi32, #tpu.memory_space<vmem>>) semaphore(%run_scoped3A_182 : memref<!tpu.dma_semaphore, #tpu.memory_space<semaphore_mem>>) {add = true}
        %dma_wait3A_189 = arith.constant 0 : i32
        %dma_wait3A_190 = tpu.memref_slice %arg7[%run_scoped3A_90, %dma_wait3A_189] : memref<8x128xi32, #tpu.memory_space<vmem>> -> memref<1x128xi32, #tpu.memory_space<vmem>>
        %dma_wait3A_191 = tpu.memref_squeeze %dma_wait3A_190 : memref<1x128xi32, #tpu.memory_space<vmem>> -> memref<128xi32, #tpu.memory_space<vmem>>
        %dma_wait3A_192 = arith.constant 0 : i32
        %dma_wait3A_193 = arith.constant 0 : i32
        %dma_wait3A_194 = tpu.memref_slice %arg10[%dma_wait3A_192, %dma_wait3A_193] : memref<10112x128xf32, #tpu.memory_space<vmem_shared>> -> memref<10112x128xf32, #tpu.memory_space<vmem_shared>>
        tpu.wait_indirect_dma semaphore(%run_scoped3A_182 : memref<!tpu.dma_semaphore, #tpu.memory_space<semaphore_mem>>) src(%arg8 : memref<128x128xf32, #tpu.memory_space<vmem>>) dst(%dma_wait3A_194 : memref<10112x128xf32, #tpu.memory_space<vmem_shared>>)
        tpu.yield
      }) : () -> ()
      %add3A_91 = arith.constant 2 : i32
      %add3A_92 = arith.addi %add3A_83, %add3A_91 : i32
      %mul3A_93 = arith.constant 128 : i32
      %mul3A_94 = arith.muli %add3A_92, %mul3A_93 : i32
      %dma_start3A_95 = tpu.memref_slice %arg6[%mul3A_94] : memref<10496xi32, #tpu.memory_space<vmem>> -> memref<128xi32, #tpu.memory_space<vmem>>
      %dma_start3A_96 = arith.constant 0 : i32
      %dma_start3A_97 = arith.constant 0 : i32
      %dma_start3A_98 = tpu.memref_slice %arg2[%dma_start3A_96, %dma_start3A_97] : memref<10000x128xf32, #tpu.memory_space<hbm>> -> memref<10000x128xf32, #tpu.memory_space<hbm>>
      tpu.enqueue_indirect_dma source(%dma_start3A_98 : memref<10000x128xf32, #tpu.memory_space<hbm>>) target(%arg8 : memref<128x128xf32, #tpu.memory_space<vmem>>) offsets(%dma_start3A_95 : memref<128xi32, #tpu.memory_space<vmem>>) semaphore(%arg11 : memref<!tpu.dma_semaphore, #tpu.memory_space<semaphore_mem>>)
      %dma_wait3A_99 = arith.constant 0 : i32
      %dma_wait3A_100 = arith.constant 0 : i32
      %dma_wait3A_101 = tpu.memref_slice %arg2[%dma_wait3A_99, %dma_wait3A_100] : memref<10000x128xf32, #tpu.memory_space<hbm>> -> memref<128x128xf32, #tpu.memory_space<hbm>>
      %dma_wait3A_102 = arith.constant 0 : i32
      %dma_wait3A_103 = arith.constant 0 : i32
      %dma_wait3A_104 = tpu.memref_slice %arg2[%dma_wait3A_102, %dma_wait3A_103] : memref<10000x128xf32, #tpu.memory_space<hbm>> -> memref<128x128xf32, #tpu.memory_space<hbm>>
      tpu.wait_dma2 semaphore(%arg12 : memref<!tpu.dma_semaphore, #tpu.memory_space<semaphore_mem>>) src(%dma_wait3A_104 : memref<128x128xf32, #tpu.memory_space<hbm>>) dst(%arg9 : memref<128x128xf32, #tpu.memory_space<vmem>>)
      %run_scoped3A_105 = arith.constant 3 : i32
      "tpu.region"() ({
        %run_scoped3A_182 = tpu.sem_alloc : memref<!tpu.dma_semaphore, #tpu.memory_space<semaphore_mem>>
        %dma_start3A_183 = arith.constant 0 : i32
        %dma_start3A_184 = tpu.memref_slice %arg7[%run_scoped3A_105, %dma_start3A_183] : memref<8x128xi32, #tpu.memory_space<vmem>> -> memref<1x128xi32, #tpu.memory_space<vmem>>
        %dma_start3A_185 = tpu.memref_squeeze %dma_start3A_184 : memref<1x128xi32, #tpu.memory_space<vmem>> -> memref<128xi32, #tpu.memory_space<vmem>>
        %dma_start3A_186 = arith.constant 0 : i32
        %dma_start3A_187 = arith.constant 0 : i32
        %dma_start3A_188 = tpu.memref_slice %arg10[%dma_start3A_186, %dma_start3A_187] : memref<10112x128xf32, #tpu.memory_space<vmem_shared>> -> memref<10112x128xf32, #tpu.memory_space<vmem_shared>>
        tpu.enqueue_indirect_dma source(%arg9 : memref<128x128xf32, #tpu.memory_space<vmem>>) target(%dma_start3A_188 : memref<10112x128xf32, #tpu.memory_space<vmem_shared>>) offsets(%dma_start3A_185 : memref<128xi32, #tpu.memory_space<vmem>>) semaphore(%run_scoped3A_182 : memref<!tpu.dma_semaphore, #tpu.memory_space<semaphore_mem>>) {add = true}
        %dma_wait3A_189 = arith.constant 0 : i32
        %dma_wait3A_190 = tpu.memref_slice %arg7[%run_scoped3A_105, %dma_wait3A_189] : memref<8x128xi32, #tpu.memory_space<vmem>> -> memref<1x128xi32, #tpu.memory_space<vmem>>
        %dma_wait3A_191 = tpu.memref_squeeze %dma_wait3A_190 : memref<1x128xi32, #tpu.memory_space<vmem>> -> memref<128xi32, #tpu.memory_space<vmem>>
        %dma_wait3A_192 = arith.constant 0 : i32
        %dma_wait3A_193 = arith.constant 0 : i32
        %dma_wait3A_194 = tpu.memref_slice %arg10[%dma_wait3A_192, %dma_wait3A_193] : memref<10112x128xf32, #tpu.memory_space<vmem_shared>> -> memref<10112x128xf32, #tpu.memory_space<vmem_shared>>
        tpu.wait_indirect_dma semaphore(%run_scoped3A_182 : memref<!tpu.dma_semaphore, #tpu.memory_space<semaphore_mem>>) src(%arg9 : memref<128x128xf32, #tpu.memory_space<vmem>>) dst(%dma_wait3A_194 : memref<10112x128xf32, #tpu.memory_space<vmem_shared>>)
        tpu.yield
      }) : () -> ()
      %add3A_106 = arith.constant 3 : i32
      %add3A_107 = arith.addi %add3A_83, %add3A_106 : i32
      %mul3A_108 = arith.constant 128 : i32
      %mul3A_109 = arith.muli %add3A_107, %mul3A_108 : i32
      %dma_start3A_110 = tpu.memref_slice %arg6[%mul3A_109] : memref<10496xi32, #tpu.memory_space<vmem>> -> memref<128xi32, #tpu.memory_space<vmem>>
      %dma_start3A_111 = arith.constant 0 : i32
      %dma_start3A_112 = arith.constant 0 : i32
      %dma_start3A_113 = tpu.memref_slice %arg2[%dma_start3A_111, %dma_start3A_112] : memref<10000x128xf32, #tpu.memory_space<hbm>> -> memref<10000x128xf32, #tpu.memory_space<hbm>>
      tpu.enqueue_indirect_dma source(%dma_start3A_113 : memref<10000x128xf32, #tpu.memory_space<hbm>>) target(%arg9 : memref<128x128xf32, #tpu.memory_space<vmem>>) offsets(%dma_start3A_110 : memref<128xi32, #tpu.memory_space<vmem>>) semaphore(%arg12 : memref<!tpu.dma_semaphore, #tpu.memory_space<semaphore_mem>>)
      %mul3A_114 = arith.constant 8 : i32
      %mul3A_115 = arith.muli %scan3A_46, %mul3A_114 : i32
      %add3A_116 = arith.constant 4 : i32
      %add3A_117 = arith.addi %mul3A_115, %add3A_116 : i32
      %dma_wait3A_118 = arith.constant 0 : i32
      %dma_wait3A_119 = arith.constant 0 : i32
      %dma_wait3A_120 = tpu.memref_slice %arg2[%dma_wait3A_118, %dma_wait3A_119] : memref<10000x128xf32, #tpu.memory_space<hbm>> -> memref<128x128xf32, #tpu.memory_space<hbm>>
      %dma_wait3A_121 = arith.constant 0 : i32
      %dma_wait3A_122 = arith.constant 0 : i32
      %dma_wait3A_123 = tpu.memref_slice %arg2[%dma_wait3A_121, %dma_wait3A_122] : memref<10000x128xf32, #tpu.memory_space<hbm>> -> memref<128x128xf32, #tpu.memory_space<hbm>>
      tpu.wait_dma2 semaphore(%arg11 : memref<!tpu.dma_semaphore, #tpu.memory_space<semaphore_mem>>) src(%dma_wait3A_123 : memref<128x128xf32, #tpu.memory_space<hbm>>) dst(%arg8 : memref<128x128xf32, #tpu.memory_space<vmem>>)
      %run_scoped3A_124 = arith.constant 4 : i32
      "tpu.region"() ({
        %run_scoped3A_182 = tpu.sem_alloc : memref<!tpu.dma_semaphore, #tpu.memory_space<semaphore_mem>>
        %dma_start3A_183 = arith.constant 0 : i32
        %dma_start3A_184 = tpu.memref_slice %arg7[%run_scoped3A_124, %dma_start3A_183] : memref<8x128xi32, #tpu.memory_space<vmem>> -> memref<1x128xi32, #tpu.memory_space<vmem>>
        %dma_start3A_185 = tpu.memref_squeeze %dma_start3A_184 : memref<1x128xi32, #tpu.memory_space<vmem>> -> memref<128xi32, #tpu.memory_space<vmem>>
        %dma_start3A_186 = arith.constant 0 : i32
        %dma_start3A_187 = arith.constant 0 : i32
        %dma_start3A_188 = tpu.memref_slice %arg10[%dma_start3A_186, %dma_start3A_187] : memref<10112x128xf32, #tpu.memory_space<vmem_shared>> -> memref<10112x128xf32, #tpu.memory_space<vmem_shared>>
        tpu.enqueue_indirect_dma source(%arg8 : memref<128x128xf32, #tpu.memory_space<vmem>>) target(%dma_start3A_188 : memref<10112x128xf32, #tpu.memory_space<vmem_shared>>) offsets(%dma_start3A_185 : memref<128xi32, #tpu.memory_space<vmem>>) semaphore(%run_scoped3A_182 : memref<!tpu.dma_semaphore, #tpu.memory_space<semaphore_mem>>) {add = true}
        %dma_wait3A_189 = arith.constant 0 : i32
        %dma_wait3A_190 = tpu.memref_slice %arg7[%run_scoped3A_124, %dma_wait3A_189] : memref<8x128xi32, #tpu.memory_space<vmem>> -> memref<1x128xi32, #tpu.memory_space<vmem>>
        %dma_wait3A_191 = tpu.memref_squeeze %dma_wait3A_190 : memref<1x128xi32, #tpu.memory_space<vmem>> -> memref<128xi32, #tpu.memory_space<vmem>>
        %dma_wait3A_192 = arith.constant 0 : i32
        %dma_wait3A_193 = arith.constant 0 : i32
        %dma_wait3A_194 = tpu.memref_slice %arg10[%dma_wait3A_192, %dma_wait3A_193] : memref<10112x128xf32, #tpu.memory_space<vmem_shared>> -> memref<10112x128xf32, #tpu.memory_space<vmem_shared>>
        tpu.wait_indirect_dma semaphore(%run_scoped3A_182 : memref<!tpu.dma_semaphore, #tpu.memory_space<semaphore_mem>>) src(%arg8 : memref<128x128xf32, #tpu.memory_space<vmem>>) dst(%dma_wait3A_194 : memref<10112x128xf32, #tpu.memory_space<vmem_shared>>)
        tpu.yield
      }) : () -> ()
      %add3A_125 = arith.constant 2 : i32
      %add3A_126 = arith.addi %add3A_117, %add3A_125 : i32
      %mul3A_127 = arith.constant 128 : i32
      %mul3A_128 = arith.muli %add3A_126, %mul3A_127 : i32
      %dma_start3A_129 = tpu.memref_slice %arg6[%mul3A_128] : memref<10496xi32, #tpu.memory_space<vmem>> -> memref<128xi32, #tpu.memory_space<vmem>>
      %dma_start3A_130 = arith.constant 0 : i32
      %dma_start3A_131 = arith.constant 0 : i32
      %dma_start3A_132 = tpu.memref_slice %arg2[%dma_start3A_130, %dma_start3A_131] : memref<10000x128xf32, #tpu.memory_space<hbm>> -> memref<10000x128xf32, #tpu.memory_space<hbm>>
      tpu.enqueue_indirect_dma source(%dma_start3A_132 : memref<10000x128xf32, #tpu.memory_space<hbm>>) target(%arg8 : memref<128x128xf32, #tpu.memory_space<vmem>>) offsets(%dma_start3A_129 : memref<128xi32, #tpu.memory_space<vmem>>) semaphore(%arg11 : memref<!tpu.dma_semaphore, #tpu.memory_space<semaphore_mem>>)
      %dma_wait3A_133 = arith.constant 0 : i32
      %dma_wait3A_134 = arith.constant 0 : i32
      %dma_wait3A_135 = tpu.memref_slice %arg2[%dma_wait3A_133, %dma_wait3A_134] : memref<10000x128xf32, #tpu.memory_space<hbm>> -> memref<128x128xf32, #tpu.memory_space<hbm>>
      %dma_wait3A_136 = arith.constant 0 : i32
      %dma_wait3A_137 = arith.constant 0 : i32
      %dma_wait3A_138 = tpu.memref_slice %arg2[%dma_wait3A_136, %dma_wait3A_137] : memref<10000x128xf32, #tpu.memory_space<hbm>> -> memref<128x128xf32, #tpu.memory_space<hbm>>
      tpu.wait_dma2 semaphore(%arg12 : memref<!tpu.dma_semaphore, #tpu.memory_space<semaphore_mem>>) src(%dma_wait3A_138 : memref<128x128xf32, #tpu.memory_space<hbm>>) dst(%arg9 : memref<128x128xf32, #tpu.memory_space<vmem>>)
      %run_scoped3A_139 = arith.constant 5 : i32
      "tpu.region"() ({
        %run_scoped3A_182 = tpu.sem_alloc : memref<!tpu.dma_semaphore, #tpu.memory_space<semaphore_mem>>
        %dma_start3A_183 = arith.constant 0 : i32
        %dma_start3A_184 = tpu.memref_slice %arg7[%run_scoped3A_139, %dma_start3A_183] : memref<8x128xi32, #tpu.memory_space<vmem>> -> memref<1x128xi32, #tpu.memory_space<vmem>>
        %dma_start3A_185 = tpu.memref_squeeze %dma_start3A_184 : memref<1x128xi32, #tpu.memory_space<vmem>> -> memref<128xi32, #tpu.memory_space<vmem>>
        %dma_start3A_186 = arith.constant 0 : i32
        %dma_start3A_187 = arith.constant 0 : i32
        %dma_start3A_188 = tpu.memref_slice %arg10[%dma_start3A_186, %dma_start3A_187] : memref<10112x128xf32, #tpu.memory_space<vmem_shared>> -> memref<10112x128xf32, #tpu.memory_space<vmem_shared>>
        tpu.enqueue_indirect_dma source(%arg9 : memref<128x128xf32, #tpu.memory_space<vmem>>) target(%dma_start3A_188 : memref<10112x128xf32, #tpu.memory_space<vmem_shared>>) offsets(%dma_start3A_185 : memref<128xi32, #tpu.memory_space<vmem>>) semaphore(%run_scoped3A_182 : memref<!tpu.dma_semaphore, #tpu.memory_space<semaphore_mem>>) {add = true}
        %dma_wait3A_189 = arith.constant 0 : i32
        %dma_wait3A_190 = tpu.memref_slice %arg7[%run_scoped3A_139, %dma_wait3A_189] : memref<8x128xi32, #tpu.memory_space<vmem>> -> memref<1x128xi32, #tpu.memory_space<vmem>>
        %dma_wait3A_191 = tpu.memref_squeeze %dma_wait3A_190 : memref<1x128xi32, #tpu.memory_space<vmem>> -> memref<128xi32, #tpu.memory_space<vmem>>
        %dma_wait3A_192 = arith.constant 0 : i32
        %dma_wait3A_193 = arith.constant 0 : i32
        %dma_wait3A_194 = tpu.memref_slice %arg10[%dma_wait3A_192, %dma_wait3A_193] : memref<10112x128xf32, #tpu.memory_space<vmem_shared>> -> memref<10112x128xf32, #tpu.memory_space<vmem_shared>>
        tpu.wait_indirect_dma semaphore(%run_scoped3A_182 : memref<!tpu.dma_semaphore, #tpu.memory_space<semaphore_mem>>) src(%arg9 : memref<128x128xf32, #tpu.memory_space<vmem>>) dst(%dma_wait3A_194 : memref<10112x128xf32, #tpu.memory_space<vmem_shared>>)
        tpu.yield
      }) : () -> ()
      %add3A_140 = arith.constant 3 : i32
      %add3A_141 = arith.addi %add3A_117, %add3A_140 : i32
      %mul3A_142 = arith.constant 128 : i32
      %mul3A_143 = arith.muli %add3A_141, %mul3A_142 : i32
      %dma_start3A_144 = tpu.memref_slice %arg6[%mul3A_143] : memref<10496xi32, #tpu.memory_space<vmem>> -> memref<128xi32, #tpu.memory_space<vmem>>
      %dma_start3A_145 = arith.constant 0 : i32
      %dma_start3A_146 = arith.constant 0 : i32
      %dma_start3A_147 = tpu.memref_slice %arg2[%dma_start3A_145, %dma_start3A_146] : memref<10000x128xf32, #tpu.memory_space<hbm>> -> memref<10000x128xf32, #tpu.memory_space<hbm>>
      tpu.enqueue_indirect_dma source(%dma_start3A_147 : memref<10000x128xf32, #tpu.memory_space<hbm>>) target(%arg9 : memref<128x128xf32, #tpu.memory_space<vmem>>) offsets(%dma_start3A_144 : memref<128xi32, #tpu.memory_space<vmem>>) semaphore(%arg12 : memref<!tpu.dma_semaphore, #tpu.memory_space<semaphore_mem>>)
      %mul3A_148 = arith.constant 8 : i32
      %mul3A_149 = arith.muli %scan3A_46, %mul3A_148 : i32
      %add3A_150 = arith.constant 6 : i32
      %add3A_151 = arith.addi %mul3A_149, %add3A_150 : i32
      %dma_wait3A_152 = arith.constant 0 : i32
      %dma_wait3A_153 = arith.constant 0 : i32
      %dma_wait3A_154 = tpu.memref_slice %arg2[%dma_wait3A_152, %dma_wait3A_153] : memref<10000x128xf32, #tpu.memory_space<hbm>> -> memref<128x128xf32, #tpu.memory_space<hbm>>
      %dma_wait3A_155 = arith.constant 0 : i32
      %dma_wait3A_156 = arith.constant 0 : i32
      %dma_wait3A_157 = tpu.memref_slice %arg2[%dma_wait3A_155, %dma_wait3A_156] : memref<10000x128xf32, #tpu.memory_space<hbm>> -> memref<128x128xf32, #tpu.memory_space<hbm>>
      tpu.wait_dma2 semaphore(%arg11 : memref<!tpu.dma_semaphore, #tpu.memory_space<semaphore_mem>>) src(%dma_wait3A_157 : memref<128x128xf32, #tpu.memory_space<hbm>>) dst(%arg8 : memref<128x128xf32, #tpu.memory_space<vmem>>)
      %run_scoped3A_158 = arith.constant 6 : i32
      "tpu.region"() ({
        %run_scoped3A_182 = tpu.sem_alloc : memref<!tpu.dma_semaphore, #tpu.memory_space<semaphore_mem>>
        %dma_start3A_183 = arith.constant 0 : i32
        %dma_start3A_184 = tpu.memref_slice %arg7[%run_scoped3A_158, %dma_start3A_183] : memref<8x128xi32, #tpu.memory_space<vmem>> -> memref<1x128xi32, #tpu.memory_space<vmem>>
        %dma_start3A_185 = tpu.memref_squeeze %dma_start3A_184 : memref<1x128xi32, #tpu.memory_space<vmem>> -> memref<128xi32, #tpu.memory_space<vmem>>
        %dma_start3A_186 = arith.constant 0 : i32
        %dma_start3A_187 = arith.constant 0 : i32
        %dma_start3A_188 = tpu.memref_slice %arg10[%dma_start3A_186, %dma_start3A_187] : memref<10112x128xf32, #tpu.memory_space<vmem_shared>> -> memref<10112x128xf32, #tpu.memory_space<vmem_shared>>
        tpu.enqueue_indirect_dma source(%arg8 : memref<128x128xf32, #tpu.memory_space<vmem>>) target(%dma_start3A_188 : memref<10112x128xf32, #tpu.memory_space<vmem_shared>>) offsets(%dma_start3A_185 : memref<128xi32, #tpu.memory_space<vmem>>) semaphore(%run_scoped3A_182 : memref<!tpu.dma_semaphore, #tpu.memory_space<semaphore_mem>>) {add = true}
        %dma_wait3A_189 = arith.constant 0 : i32
        %dma_wait3A_190 = tpu.memref_slice %arg7[%run_scoped3A_158, %dma_wait3A_189] : memref<8x128xi32, #tpu.memory_space<vmem>> -> memref<1x128xi32, #tpu.memory_space<vmem>>
        %dma_wait3A_191 = tpu.memref_squeeze %dma_wait3A_190 : memref<1x128xi32, #tpu.memory_space<vmem>> -> memref<128xi32, #tpu.memory_space<vmem>>
        %dma_wait3A_192 = arith.constant 0 : i32
        %dma_wait3A_193 = arith.constant 0 : i32
        %dma_wait3A_194 = tpu.memref_slice %arg10[%dma_wait3A_192, %dma_wait3A_193] : memref<10112x128xf32, #tpu.memory_space<vmem_shared>> -> memref<10112x128xf32, #tpu.memory_space<vmem_shared>>
        tpu.wait_indirect_dma semaphore(%run_scoped3A_182 : memref<!tpu.dma_semaphore, #tpu.memory_space<semaphore_mem>>) src(%arg8 : memref<128x128xf32, #tpu.memory_space<vmem>>) dst(%dma_wait3A_194 : memref<10112x128xf32, #tpu.memory_space<vmem_shared>>)
        tpu.yield
      }) : () -> ()
      %add3A_159 = arith.constant 2 : i32
      %add3A_160 = arith.addi %add3A_151, %add3A_159 : i32
      %mul3A_161 = arith.constant 128 : i32
      %mul3A_162 = arith.muli %add3A_160, %mul3A_161 : i32
      %dma_start3A_163 = tpu.memref_slice %arg6[%mul3A_162] : memref<10496xi32, #tpu.memory_space<vmem>> -> memref<128xi32, #tpu.memory_space<vmem>>
      %dma_start3A_164 = arith.constant 0 : i32
      %dma_start3A_165 = arith.constant 0 : i32
      %dma_start3A_166 = tpu.memref_slice %arg2[%dma_start3A_164, %dma_start3A_165] : memref<10000x128xf32, #tpu.memory_space<hbm>> -> memref<10000x128xf32, #tpu.memory_space<hbm>>
      tpu.enqueue_indirect_dma source(%dma_start3A_166 : memref<10000x128xf32, #tpu.memory_space<hbm>>) target(%arg8 : memref<128x128xf32, #tpu.memory_space<vmem>>) offsets(%dma_start3A_163 : memref<128xi32, #tpu.memory_space<vmem>>) semaphore(%arg11 : memref<!tpu.dma_semaphore, #tpu.memory_space<semaphore_mem>>)
      %dma_wait3A_167 = arith.constant 0 : i32
      %dma_wait3A_168 = arith.constant 0 : i32
      %dma_wait3A_169 = tpu.memref_slice %arg2[%dma_wait3A_167, %dma_wait3A_168] : memref<10000x128xf32, #tpu.memory_space<hbm>> -> memref<128x128xf32, #tpu.memory_space<hbm>>
      %dma_wait3A_170 = arith.constant 0 : i32
      %dma_wait3A_171 = arith.constant 0 : i32
      %dma_wait3A_172 = tpu.memref_slice %arg2[%dma_wait3A_170, %dma_wait3A_171] : memref<10000x128xf32, #tpu.memory_space<hbm>> -> memref<128x128xf32, #tpu.memory_space<hbm>>
      tpu.wait_dma2 semaphore(%arg12 : memref<!tpu.dma_semaphore, #tpu.memory_space<semaphore_mem>>) src(%dma_wait3A_172 : memref<128x128xf32, #tpu.memory_space<hbm>>) dst(%arg9 : memref<128x128xf32, #tpu.memory_space<vmem>>)
      %run_scoped3A_173 = arith.constant 7 : i32
      "tpu.region"() ({
        %run_scoped3A_182 = tpu.sem_alloc : memref<!tpu.dma_semaphore, #tpu.memory_space<semaphore_mem>>
        %dma_start3A_183 = arith.constant 0 : i32
        %dma_start3A_184 = tpu.memref_slice %arg7[%run_scoped3A_173, %dma_start3A_183] : memref<8x128xi32, #tpu.memory_space<vmem>> -> memref<1x128xi32, #tpu.memory_space<vmem>>
        %dma_start3A_185 = tpu.memref_squeeze %dma_start3A_184 : memref<1x128xi32, #tpu.memory_space<vmem>> -> memref<128xi32, #tpu.memory_space<vmem>>
        %dma_start3A_186 = arith.constant 0 : i32
        %dma_start3A_187 = arith.constant 0 : i32
        %dma_start3A_188 = tpu.memref_slice %arg10[%dma_start3A_186, %dma_start3A_187] : memref<10112x128xf32, #tpu.memory_space<vmem_shared>> -> memref<10112x128xf32, #tpu.memory_space<vmem_shared>>
        tpu.enqueue_indirect_dma source(%arg9 : memref<128x128xf32, #tpu.memory_space<vmem>>) target(%dma_start3A_188 : memref<10112x128xf32, #tpu.memory_space<vmem_shared>>) offsets(%dma_start3A_185 : memref<128xi32, #tpu.memory_space<vmem>>) semaphore(%run_scoped3A_182 : memref<!tpu.dma_semaphore, #tpu.memory_space<semaphore_mem>>) {add = true}
        %dma_wait3A_189 = arith.constant 0 : i32
        %dma_wait3A_190 = tpu.memref_slice %arg7[%run_scoped3A_173, %dma_wait3A_189] : memref<8x128xi32, #tpu.memory_space<vmem>> -> memref<1x128xi32, #tpu.memory_space<vmem>>
        %dma_wait3A_191 = tpu.memref_squeeze %dma_wait3A_190 : memref<1x128xi32, #tpu.memory_space<vmem>> -> memref<128xi32, #tpu.memory_space<vmem>>
        %dma_wait3A_192 = arith.constant 0 : i32
        %dma_wait3A_193 = arith.constant 0 : i32
        %dma_wait3A_194 = tpu.memref_slice %arg10[%dma_wait3A_192, %dma_wait3A_193] : memref<10112x128xf32, #tpu.memory_space<vmem_shared>> -> memref<10112x128xf32, #tpu.memory_space<vmem_shared>>
        tpu.wait_indirect_dma semaphore(%run_scoped3A_182 : memref<!tpu.dma_semaphore, #tpu.memory_space<semaphore_mem>>) src(%arg9 : memref<128x128xf32, #tpu.memory_space<vmem>>) dst(%dma_wait3A_194 : memref<10112x128xf32, #tpu.memory_space<vmem_shared>>)
        tpu.yield
      }) : () -> ()
      %add3A_174 = arith.constant 3 : i32
      %add3A_175 = arith.addi %add3A_151, %add3A_174 : i32
      %mul3A_176 = arith.constant 128 : i32
      %mul3A_177 = arith.muli %add3A_175, %mul3A_176 : i32
      %dma_start3A_178 = tpu.memref_slice %arg6[%mul3A_177] : memref<10496xi32, #tpu.memory_space<vmem>> -> memref<128xi32, #tpu.memory_space<vmem>>
      %dma_start3A_179 = arith.constant 0 : i32
      %dma_start3A_180 = arith.constant 0 : i32
      %dma_start3A_181 = tpu.memref_slice %arg2[%dma_start3A_179, %dma_start3A_180] : memref<10000x128xf32, #tpu.memory_space<hbm>> -> memref<10000x128xf32, #tpu.memory_space<hbm>>
      tpu.enqueue_indirect_dma source(%dma_start3A_181 : memref<10000x128xf32, #tpu.memory_space<hbm>>) target(%arg9 : memref<128x128xf32, #tpu.memory_space<vmem>>) offsets(%dma_start3A_178 : memref<128xi32, #tpu.memory_space<vmem>>) semaphore(%arg12 : memref<!tpu.dma_semaphore, #tpu.memory_space<semaphore_mem>>)
    }
    %scan3A_33 = arith.constant 10 : i32
    %dma_wait3A = arith.constant 0 : i32
    %dma_wait3A_34 = arith.constant 0 : i32
    %dma_wait3A_35 = tpu.memref_slice %arg2[%dma_wait3A, %dma_wait3A_34] : memref<10000x128xf32, #tpu.memory_space<hbm>> -> memref<128x128xf32, #tpu.memory_space<hbm>>
    %dma_wait3A_36 = arith.constant 0 : i32
    %dma_wait3A_37 = arith.constant 0 : i32
    %dma_wait3A_38 = tpu.memref_slice %arg2[%dma_wait3A_36, %dma_wait3A_37] : memref<10000x128xf32, #tpu.memory_space<hbm>> -> memref<128x128xf32, #tpu.memory_space<hbm>>
    tpu.wait_dma2 semaphore(%arg11 : memref<!tpu.dma_semaphore, #tpu.memory_space<semaphore_mem>>) src(%dma_wait3A_38 : memref<128x128xf32, #tpu.memory_space<hbm>>) dst(%arg8 : memref<128x128xf32, #tpu.memory_space<vmem>>)
    %dma_wait3A_39 = arith.constant 0 : i32
    %dma_wait3A_40 = arith.constant 0 : i32
    %dma_wait3A_41 = tpu.memref_slice %arg2[%dma_wait3A_39, %dma_wait3A_40] : memref<10000x128xf32, #tpu.memory_space<hbm>> -> memref<128x128xf32, #tpu.memory_space<hbm>>
    %dma_wait3A_42 = arith.constant 0 : i32
    %dma_wait3A_43 = arith.constant 0 : i32
    %dma_wait3A_44 = tpu.memref_slice %arg2[%dma_wait3A_42, %dma_wait3A_43] : memref<10000x128xf32, #tpu.memory_space<hbm>> -> memref<128x128xf32, #tpu.memory_space<hbm>>
    tpu.wait_dma2 semaphore(%arg12 : memref<!tpu.dma_semaphore, #tpu.memory_space<semaphore_mem>>) src(%dma_wait3A_44 : memref<128x128xf32, #tpu.memory_space<hbm>>) dst(%arg9 : memref<128x128xf32, #tpu.memory_space<vmem>>)
    %barrier3A_45 = arith.constant 0 : index
    tpu.barrier barrier_id(%barrier3A_45)
    "tpu.region"() ({
      %run_scoped3A = tpu.sem_alloc : memref<!tpu.dma_semaphore, #tpu.memory_space<semaphore_mem>>
      %dma_start3A_46 = arith.constant 0 : i32
      %dma_start3A_47 = tpu.memref_slice %arg5[%arg0, %mul3A_7, %dma_start3A_46] : memref<2x10112x128xf32, #tpu.memory_space<hbm>> -> memref<1x632x128xf32, #tpu.memory_space<hbm>>
      %dma_start3A_48 = tpu.memref_squeeze %dma_start3A_47 : memref<1x632x128xf32, #tpu.memory_space<hbm>> -> memref<632x128xf32, #tpu.memory_space<hbm>>
      %dma_start3A_49 = arith.constant 0 : i32
      %dma_start3A_50 = tpu.memref_slice %arg10[%mul3A_7, %dma_start3A_49] : memref<10112x128xf32, #tpu.memory_space<vmem_shared>> -> memref<632x128xf32, #tpu.memory_space<vmem_shared>>
      tpu.enqueue_dma source(%dma_start3A_50 : memref<632x128xf32, #tpu.memory_space<vmem_shared>>) target(%dma_start3A_48 : memref<632x128xf32, #tpu.memory_space<hbm>>) target_semaphore(%run_scoped3A : memref<!tpu.dma_semaphore, #tpu.memory_space<semaphore_mem>>)
      %dma_wait3A_51 = arith.constant 0 : i32
      %dma_wait3A_52 = tpu.memref_slice %arg5[%arg0, %mul3A_7, %dma_wait3A_51] : memref<2x10112x128xf32, #tpu.memory_space<hbm>> -> memref<1x632x128xf32, #tpu.memory_space<hbm>>
      %dma_wait3A_53 = tpu.memref_squeeze %dma_wait3A_52 : memref<1x632x128xf32, #tpu.memory_space<hbm>> -> memref<632x128xf32, #tpu.memory_space<hbm>>
      %dma_wait3A_54 = arith.constant 0 : i32
      %dma_wait3A_55 = tpu.memref_slice %arg10[%mul3A_7, %dma_wait3A_54] : memref<10112x128xf32, #tpu.memory_space<vmem_shared>> -> memref<632x128xf32, #tpu.memory_space<vmem_shared>>
      tpu.wait_dma2 semaphore(%run_scoped3A : memref<!tpu.dma_semaphore, #tpu.memory_space<semaphore_mem>>) src(%dma_wait3A_55 : memref<632x128xf32, #tpu.memory_space<vmem_shared>>) dst(%dma_wait3A_53 : memref<632x128xf32, #tpu.memory_space<hbm>>)
      tpu.yield
    }) : () -> ()
    return
  }
}

module attributes {stable_mosaic.version = 14 : i64} {
  func.func @body(%arg0: i32, %arg1: memref<2x1264x128xf32, #tpu.memory_space<vmem>>, %arg2: memref<128x128xf32, #tpu.memory_space<vmem>>, %arg3: memref<1x128xf32, #tpu.memory_space<vmem>>, %arg4: memref<1264x128xf32, #tpu.memory_space<vmem>>) attributes {dimension_semantics = [#tpu.dimension_semantics<arbitrary>], iteration_bounds = array<i64: 8>, scalar_prefetch = 0 : i64, scratch_operands = 0 : i64, tpu.core_type = #tpu.core_type<tc>, window_params = [{transform_indices = @transform_0, window_bounds = array<i64: 2, 1264, 128>}, {pipeline_mode = #tpu.pipeline_mode<synchronous>, transform_indices = @transform_1, window_bounds = array<i64: 128, 128>}, {pipeline_mode = #tpu.pipeline_mode<synchronous>, transform_indices = @transform_2, window_bounds = array<i64: 1, 128>}, {transform_indices = @transform_3, window_bounds = array<i64: 1264, 128>}]} {
    %get3A = arith.constant 0 : index
    %get3A_0 = arith.constant 0 : index
    %get3A_1 = arith.constant 0 : index
    %get3A_2 = vector.load %arg1[%get3A, %get3A_0, %get3A_1] : memref<2x1264x128xf32, #tpu.memory_space<vmem>>, vector<1x1264x128xf32>
    %get3A_3 = vector.shape_cast %get3A_2 : vector<1x1264x128xf32> to vector<1264x128xf32>
    %get3A_4 = arith.constant 1 : index
    %get3A_5 = arith.constant 0 : index
    %get3A_6 = arith.constant 0 : index
    %get3A_7 = vector.load %arg1[%get3A_4, %get3A_5, %get3A_6] : memref<2x1264x128xf32, #tpu.memory_space<vmem>>, vector<1x1264x128xf32>
    %get3A_8 = vector.shape_cast %get3A_7 : vector<1x1264x128xf32> to vector<1264x128xf32>
    %add3A = arith.addf %get3A_3, %get3A_8 : vector<1264x128xf32>
    %get3A_9 = arith.constant 0 : index
    %get3A_10 = arith.constant 0 : index
    %get3A_11 = vector.load %arg2[%get3A_9, %get3A_10] : memref<128x128xf32, #tpu.memory_space<vmem>>, vector<128x128xf32>
    %dot_general3A = arith.constant dense<0.000000e+00> : vector<1264x128xf32>
    %dot_general3A_12 = tpu.matmul %add3A, %get3A_11, %dot_general3A {dimension_numbers = #tpu.dot_dimension_numbers<[1], [1], [0], [0], [0, 0, 1, 0], [], []>, transpose_lhs_hint = false} : vector<1264x128xf32>, vector<128x128xf32>, vector<1264x128xf32> -> vector<1264x128xf32>
    %get3A_13 = arith.constant 0 : index
    %get3A_14 = arith.constant 0 : index
    %get3A_15 = vector.load %arg3[%get3A_13, %get3A_14] : memref<1x128xf32, #tpu.memory_space<vmem>>, vector<1x128xf32>
    %add3A_16 = vector.broadcast %get3A_15 : vector<1x128xf32> to vector<1264x128xf32>
    %add3A_17 = arith.addf %dot_general3A_12, %add3A_16 : vector<1264x128xf32>
    %tanh3A = math.tanh %add3A_17 : vector<1264x128xf32>
    %swap3A = arith.constant 0 : index
    %swap3A_18 = arith.constant 0 : index
    %swap3A_19 = vector.load %arg4[%swap3A, %swap3A_18] : memref<1264x128xf32, #tpu.memory_space<vmem>>, vector<1264x128xf32>
    tpu.vector_store %arg4[%swap3A, %swap3A_18], %tanh3A {strides = array<i32>} : memref<1264x128xf32, #tpu.memory_space<vmem>>, vector<1264x128xf32>,
    return
  }
  func.func @transform_0(%arg0: i32) -> (i32, i32, i32) {
    %c0_i32 = arith.constant 0 : i32
    %c0_i32_0 = arith.constant 0 : i32
    %c0_i32_1 = arith.constant 0 : i32
    return %c0_i32, %arg0, %c0_i32_0 : i32, i32, i32
  }
  func.func @transform_1(%arg0: i32) -> (i32, i32) {
    %c0_i32 = arith.constant 0 : i32
    %c0_i32_0 = arith.constant 0 : i32
    %c0_i32_1 = arith.constant 0 : i32
    return %c0_i32, %c0_i32_0 : i32, i32
  }
  func.func @transform_2(%arg0: i32) -> (i32, i32) {
    %c0_i32 = arith.constant 0 : i32
    %c0_i32_0 = arith.constant 0 : i32
    %c0_i32_1 = arith.constant 0 : i32
    return %c0_i32, %c0_i32_0 : i32, i32
  }
  func.func @transform_3(%arg0: i32) -> (i32, i32) {
    %c0_i32 = arith.constant 0 : i32
    %c0_i32_0 = arith.constant 0 : i32
    return %arg0, %c0_i32 : i32, i32
  }
}

</mosaic_0001>

<sc_bundles>
// kernel: kernel.4.cloned.1.call-start
scs
__scs_entry_jumppad:
0x0: {  	(pc) =	sbr.rel $0x88, $3  }
0x1: {  	(tag) =	ssettag $0x0;
	lr =	simm.s32 $0x1  }
0x2: {  	[smem:$0x3F9D] =	sst lr;
	_ =	strace $0xD0000000  }
0x3: {  	_ = 	snop  }
0x4: {  	_ = 	snop  }
0x5: {  	_ = 	snop  }
0x6: {  	_ = 	snop  }
0x7: {  	_ = 	snop  }
__scs_overlays_trampoline_lowered:
0x8: {  	[smem:$0x3FAC] =	sst s0  }
0x9: {  	[smem:$0x3FAD] =	sst s1  }
0xa: {  	[smem:$0x3FAE] =	sst s2  }
0xb: {  	[smem:$0x3FAF] =	sst s3  }
0xc: {  	[smem:$0x3FB0] =	sst s4  }
0xd: {  	[smem:$0x3FB1] =	sst s5  }
0xe: {  	[smem:$0x3FB2] =	sst s6  }
0xf: {  	[smem:$0x3FB3] =	sst s7  }
0x10: {  	[smem:$0x3FB4] =	sst s8  }
0x11: {  	[smem:$0x3FB5] =	sst s9;
	s0 =	simm.s32 @!p0 $0x0  }
0x12: {  	s1 =	sld [smem:$0x3F9B];
	s0 =	simm.s32 @p0 $0x1  }
0x13: {  	[smem:$0x3FB6] =	sst s0;
	s0 =	simm.s32 @!p1 $0x0  }
0x14: {  	s2 =	sld [smem:$0x3F9A];
	s0 =	simm.s32 @p1 $0x1  }
0x15: {  	[smem:$0x3FB7] =	sst s0;
	s0 =	simm.s32 @!p2 $0x0  }
0x16: {  	s3 =	sld [smem:$0x3FDB];
	s0 =	simm.s32 @p2 $0x1  }
0x17: {  	s4 =	simm.s32 $0x1BF5;
	[smem:$0x3FB9] =	sst s0  }
0x18: {  	s0 =	sld [smem:$0x3F9C];
	_ =	swait.ge [sflag:s4], $0x0  }
0x19: {  	s7 =	sld [smem:$0x3F9D]  }
0x1a: {  	s8 =	sadd.s32 $0xFFFFE003, lr  }
0x1b: {  	s9 =	sadd.s32 $0xFFFFFEF7, lr;
	s5 =	simm.s32 $0xFFFFFFFF;
	p2 =	slt.u32 s8, $0xFFFFF086  }
0x1c: {  	p1 =	slt.u32 s9, $0xF7A;
	s5 =	simm.s32 @!p2 $0x0  }
0x1d: {  	s5 =	simm.s32 @p1 $0x1;
	p0 =	seq.s32 s7, s2  }
0x1e: {  	s7 =	smul.u32 @!p0 $0xF7A, s2;
	p2 =	seq.s32 @!p0 s5, $0x0  }
0x1f: {  	s9 =	smul.u32 $0xF7A, s1;
	s8 =	simm.s32 @!p0 $0x1BF5;
	p2 =	por !p2, p0  }
0x20: {  	[sflag:s8] =	ssyncset.s32 @!p0 $0xFFFFF086;
	s6 =	sadd.s32 @!p0 s3, s7;
	s7 =	simm.s32 @!p0 $0x108  }
0x21: {  	s3 =	sadd.s32 s3, s9;
	s6 =	sadd.s32 @!p0 $0x88, s6;
	s7 =	simm.s32 @p2 $0x1082  }
0x22: {  	[simem:s7], [sflag:s8] =	dma.local @!p0 [hbm:s6], $0xF7A  }
0x23: {  	s9 =	sor.u32 $0xD0000000, s2;
	s6 =	simm.s32 $0x108;
	_ =	swait.ge @!p0 [sflag:s8], $0x0  }
0x24: {  	s3 =	sadd.s32 $0x88, s3;
	s6 =	simm.s32 @!p1 $0x1082;
	[sflag:s4] =	ssyncset.s32 $0xFFFFF086  }
0x25: {  	[simem:s6], [sflag:s4] =	dma.local [hbm:s3], $0xF7A  }
0x26: {  	[smem:$0x3F9D] =	sst s1;
	(tag) =	ssettag s2;
	_ =	strace s9  }
0x27: {  	s1 =	sld [smem:$0x3FAD]  }
0x28: {  	s2 =	sld [smem:$0x3FAE]  }
0x29: {  	s4 =	sld [smem:$0x3FB0]  }
0x2a: {  	p0 =	seq.s32 s5, $0x0;
	s5 =	sld [smem:$0x3FB1]  }
0x2b: {  	s6 =	sld [smem:$0x3FB2]  }
0x2c: {  	s7 =	sld [smem:$0x3FB3]  }
0x2d: {  	s3 =	simm.s32 $0x108;
	s8 =	sld [smem:$0x3FB4]  }
0x2e: {  	s3 =	simm.s32 @!p0 $0x1082;
	s9 =	sld [smem:$0x3FB5]  }
0x2f: {  	lr =	sadd.s32 s0, s3;
	s0 =	sld [smem:$0x3FAC]  }
0x30: {  	s3 =	sld [smem:$0x3FAF]  }
0x31: {  	[smem:$0x3FB8] =	sst s10  }
0x32: {  	s10 =	sld [smem:$0x3FB6];
	_ =	sdelay $0x3  }
0x33: {  	p0 =	seq.s32 s10, $0x1;
	s10 =	sld [smem:$0x3FB8];
	_ =	sdelay $0x3  }
0x34: {  	[smem:$0x3FB8] =	sst s10  }
0x35: {  	s10 =	sld [smem:$0x3FB7];
	_ =	sdelay $0x3  }
0x36: {  	p1 =	seq.s32 s10, $0x1;
	s10 =	sld [smem:$0x3FB8];
	_ =	sdelay $0x3  }
0x37: {  	[smem:$0x3FB8] =	sst s10  }
0x38: {  	s10 =	sld [smem:$0x3FB9]  }
0x39: {  	_ = 	snop;
	(pc) =	sbr.ind lr, $3  }
0x3a: {  	_ = 	snop  }
0x3b: {  	_ = 	snop  }
0x3c: {  	p2 =	seq.s32 s10, $0x1;
	s10 =	sld [smem:$0x3FB8]  }
0x3d: {  	_ =	shalt  }
0x3e: {  	_ =	shalt  }
0x3f: {  	_ =	shalt  }
0x40: {  	_ =	shalt  }
0x41: {  	_ =	shalt  }
0x42: {  	_ =	shalt  }
0x43: {  	_ =	shalt  }
0x44: {  	_ =	shalt  }
0x45: {  	_ =	shalt  }
0x46: {  	_ =	shalt  }
0x47: {  	_ =	shalt  }
0x48: {  	_ =	shalt  }
0x49: {  	_ =	shalt  }
0x4a: {  	_ =	shalt  }
0x4b: {  	_ =	shalt  }
0x4c: {  	_ =	shalt  }
0x4d: {  	_ =	shalt  }
0x4e: {  	_ =	shalt  }
0x4f: {  	_ =	shalt  }
0x50: {  	_ =	shalt  }
0x51: {  	_ =	shalt  }
0x52: {  	_ =	shalt  }
0x53: {  	_ =	shalt  }
0x54: {  	_ =	shalt  }
0x55: {  	_ =	shalt  }
0x56: {  	_ =	shalt  }
0x57: {  	_ =	shalt  }
0x58: {  	_ =	shalt  }
0x59: {  	_ =	shalt  }
0x5a: {  	_ =	shalt  }
0x5b: {  	_ =	shalt  }
0x5c: {  	_ =	shalt  }
0x5d: {  	_ =	shalt  }
0x5e: {  	_ =	shalt  }
0x5f: {  	_ =	shalt  }
0x60: {  	_ =	shalt  }
0x61: {  	_ =	shalt  }
0x62: {  	_ =	shalt  }
0x63: {  	_ =	shalt  }
0x64: {  	_ =	shalt  }
0x65: {  	_ =	shalt  }
0x66: {  	_ =	shalt  }
0x67: {  	_ =	shalt  }
0x68: {  	_ =	shalt  }
0x69: {  	_ =	shalt  }
0x6a: {  	_ =	shalt  }
0x6b: {  	_ =	shalt  }
0x6c: {  	_ =	shalt  }
0x6d: {  	_ =	shalt  }
0x6e: {  	_ =	shalt  }
0x6f: {  	_ =	shalt  }
0x70: {  	_ =	shalt  }
0x71: {  	_ =	shalt  }
0x72: {  	_ =	shalt  }
0x73: {  	_ =	shalt  }
0x74: {  	_ =	shalt  }
0x75: {  	_ =	shalt  }
0x76: {  	_ =	shalt  }
0x77: {  	_ =	shalt  }
0x78: {  	_ =	shalt  }
0x79: {  	_ =	shalt  }
0x7a: {  	_ =	shalt  }
0x7b: {  	_ =	shalt  }
0x7c: {  	_ =	shalt  }
0x7d: {  	_ =	shalt  }
0x7e: {  	_ =	shalt  }
0x7f: {  	_ =	shalt  }
0x80: {  	_ =	shalt  }
0x81: {  	_ =	shalt  }
0x82: {  	_ =	shalt  }
0x83: {  	_ =	shalt  }
0x84: {  	_ =	shalt  }
0x85: {  	_ =	shalt  }
0x86: {  	_ =	shalt  }
0x87: {  	_ =	shalt  }
.Lfunc_end0:
.L_simem_size_0:
called_computation_lowered:
.L_overlay_start_0:
0x88: {  	s2 =	sld [smem:$0x3FD9]  }
0x89: {  	s3 =	sld [smem:$0x3FFE];
	_ =	sdelay $0x1  }
0x8a: {  	s1 =	srdreg.scid  }
0x8b: {  	s0 =	sand.u32 $0x1, s1  }
0x8c: {  	s17 =	sshll.u32 s0, $0xA;
	s2 =	sadd.s32 s3, s2  }
0x8d: {  	s2 =	sadd.s32 s2, s17  }
0x8e: {  	[smem:$0x3FC4] =	sst s2  }
0x8f: {  	_ = 	snop  }
0x90: {  	s2 =	sld [smem:$0x3FC9]  }
0x91: {  	s18 =	sld [smem:$0x3FD0];
	(tm) =	ssettm $0x1  }
0x92: {  	s4 =	sld [smem:$0x3FFB];
	_ =	sdelay $0x3  }
0x93: {  	_ =	strace s4  }
0x94: {  	s4 =	sld [smem:$0x3FFC];
	_ =	sdelay $0x3  }
0x95: {  	_ =	strace s4  }
0x96: {  	s4 =	sld [smem:$0x3FFD];
	_ =	sdelay $0x3  }
0x97: {  	_ =	strace s4  }
0x98: {  	_ =	strace $0x8FFFFFFF  }
0x99: {  	s19 =	sld [smem:$0x3FDB];
	_ =	sdelay $0x1  }
0x9a: {  	s5 =	simm.s32 $_scs_section_size  }
0x9b: {  	s6 =	simm.s32 $_size__tile_overlayer_lowered;
	s7 =	simm.s32 $_tile_overlayer_lowered  }
0x9c: {  	s22 =	simm.s32 $0x1BFF;
	s21 =	sshll.u32 s7, $0x1;
	s4 =	sadd.s32 s5, s19  }
0x9d: {  	s8 =	simm.s32 $0x0;
	s20 =	sshll.u32 s6, $0x1;
	s6 =	sadd.s32 s21, s4  }
0x9e: {  	[timem:s8], [sflag:s22] =	dma.local [hbm:s6], s20  }
0x9f: {  	_ =	swait.ge [sflag:s22], s20  }
0xa0: {  	s5 =	ssub.s32 $0x0, s20;
	[sflag:s22] =	ssyncset.done $0x0  }
0xa1: {  	[sflag:s22] =	ssyncadd.s32 s5;
	_ =	sdelay $0x1  }
0xa2: {  	s23 =	simm.s32 $0x1B8B  }
0xa3: {  	_ =	swait.ge [sflag:s23], $0x1  }
0xa4: {  	[sflag:s23] =	ssyncset.done $0x0  }
0xa5: {  	s25 =	simm.s32 $0x1B8E;
	s24 =	sld [smem:$0x3FFE];
	[sflag:s23] =	ssyncadd.s32 $0xFFFFFFFF  }
0xa6: {  	s26 =	simm.s32 $execute0_lowered;
	[smem:$0x3FD2] =	sst s25  }
0xa7: {  	s6 =	sshll.u32 s26, $0x1;
	_ =	strace $0x80000046;
	[dreg:$0x1] =	wrdreg $0xFFFFFFFF  }
0xa8: {  	s28 =	simm.s32 $_size_execute0_lowered;
	s4 =	sadd.s32 s4, s6;
	[dreg:$0x0] =	wrdreg $0x0  }
0xa9: {  	s6 =	sshll.u32 s28, $0x1;
	[dreg:$0x2] =	wrdreg s4  }
0xaa: {  	[dreg:$0x3] =	wrdreg s6  }
0xab: {  	[dreg:$0x4] =	wrdreg $0xC0  }
0xac: {  	_ =	task [dreg:s8], $0x5FFFF  }
0xad: {  	[dreg:$0x1] =	wrdreg $0xFFFFFFFF  }
0xae: {  	[dreg:$0x0] =	wrdreg $0x60  }
0xaf: {  	[dreg:$0x2] =	wrdreg s2  }
0xb0: {  	[dreg:$0x3] =	wrdreg s18  }
0xb1: {  	[dreg:$0x4] =	wrdreg s24  }
0xb2: {  	[dreg:$0x5] =	wrdreg $0xAD000  }
0xb3: {  	[dreg:$0x6] =	wrdreg $0x9  }
0xb4: {  	_ =	task.clear_ibuf [dreg:s8], $0x7FFFF;
	_ =	strace $0x90000046  }
0xb5: {  	s29 =	simm.s32 $0x9;
	_ =	strace $0x80000048  }
0xb6: {  	_ =	swait.ge [sflag:s29], $0x1  }
0xb7: {  	[sflag:s29] =	ssyncadd.s32 $0xFFFFFFFF  }
0xb8: {  	_ =	strace $0x90000048  }
0xb9: {  	_ =	sfence  }
0xba: {  	s30 =	sld [smem:$0x0];
	_ =	sdelay $0x2  }
0xbb: {  	s31 =	sshll.u32 s1, $0xD;
	s1 =	sshrl.u32 s1, $0x2  }
0xbc: {  	s3 =	sand.u32 $0x4000, s31;
	s1 =	sadd.s32 s1, s30  }
0xbd: {  	s0 =	sor.u32 s3, s0;
	s1 =	sshll.u32 s1, $0x11  }
0xbe: {  	s0 =	sor.u32 s1, s0  }
0xbf: {  	s0 =	sadd.s32 $0x8F2B, s0  }
0xc0: {  	[sflag:s0] =	ssyncadd.remote.s32 $0x1  }
0xc1: {  	_ =	sfence.sel $0xFFFF  }
0xc2: {  	[dreg:$0x0] =	wrdreg $0xFFFFFFFF;
	(pc) =	sbr.abs _section_cstart, $3  }
0xc3: {  	[dreg:$0x1] =	wrdreg $0xFFFFFFFF  }
0xc4: {  	_ =	task.clear_ibuf [dreg:s8], $0x2FFFF;
	_ =	strace $0x9FFFFFFF  }
0xc5: {  	(tm) =	ssettm $0x7FFFFFFF  }
tec
execute0_lowered:
.L_overlay_start_1:
0x0: {  	(tag) =	ssettag $0x1  }
0x1: {  	s0 =	rddreg [dreg:$0x0]  }
0x2: {  	s1 =	rddreg [dreg:$0x1]  }
0x3: {  	s5 =	rddreg [dreg:$0x2];
	s2 =	srdreg.scid  }
0x4: {  	s3 =	rddreg [dreg:$0x3];
	s18 =	stileid.u32  }
0x5: {  	s4 =	simm.s32 $0x0;
	s14 =	simm.s32 $0x80;
	s8 =	smul.u32 $0x2800, s18  }
0x6: {  	s16 =	simm.s32 $0x3;
	s17 =	simm.s32 $0x2D00;
	s19 =	smul.u32 $0x13C00, s18  }
0x7: {  	s28 =	simm.s32 $0x2C00;
	s6 =	sand.u32 $0x1, s2;
	s23 =	smul.u32 $0x4F000, s18  }
0x8: {  	s29 =	simm.s32 $0x2C80;
	s30 =	simm.s32 $0x0;
	s7 =	smul.u32 $0x28000, s6  }
0x9: {  	[smem:$0x7FF] =	sst s4;
	s22 =	sshll.u32 s18, $0x7;
	s9 =	smul.u32 $0x13C000, s6  }
0xa: {  	s10 =	sshll.u32 s6, $0x4;
	_ =	strace $0x80000047;
	s24 =	ssub.s32 $0x2, s6  }
0xb: {  	s25 =	sand.u32 $0x380, s22;
	s22 =	simm.s32 $0x2980;
	s10 =	sor.u32 s18, s10  }
0xc: {  	s26 =	sshrl.u32 s24, $0x1;
	s31 =	sshrl.u32 s23, $0x2;
	s18 =	simm.s32 $0x6D00  }
0xd: {  	s23 =	simm.s32 $0x2A00;
	s7 =	sadd.s32 s8, s7;
	s10 =	sshrl.u32 s10, $0x3  }
0xe: {  	s20 =	sadd.s32 s19, s9;
	s12 =	ssub.s32 s24, s26;
	s19 =	simm.s32 $0x2900  }
0xf: {  	s24 =	simm.s32 $0x2A80;
	s26 =	simm.s32 $0x2B80;
	s7 =	sshrl.u32 s7, $0x3  }
0x10: {  	s21 =	smul.u32 $0x14800, s10;
	s13 =	sadd.s32 s7, s5;
	s7 =	sshrl.u32 s20, $0x3  }
0x11: {  	s12 =	smax.u32 s12, $0x1;
	s20 =	simm.s32 $0x1;
	s11 =	sadd.s32 s7, s5  }
0x12: {  	s6 =	sor.u32 s25, s21;
	s5 =	sadd.s32 s31, s3;
	s13 =	sadd.s32 $0x200, s13  }
0x13: {  	s21 =	simm.s32 $0x2;
	s25 =	simm.s32 $0x2B00;
	s6 =	sshrl.u32 s6, $0x3  }
0x14: {  	s7 =	sadd.s32 $0x4000, s5;
	s8 =	sadd.s32 $0x8000, s5;
	s9 =	sadd.s32 $0xC000, s5  }
0x15: {  	v0 =	vimm.f32 $0.0e+00;
	s10 =	sadd.s32 $0x10000, s5;
	s11 =	sadd.s32 $0xA200, s11;
	s6 =	sadd.s32 s1, s6  }
.LBB2_1:
0x16: {  	s1 =	simm.s32 $0x400  }
0x17: {  	[tilespmem:s4], [sflag:$0x3] =	stream.strided.gather [hbm4b:s6+s14], $0x2900, s1, s14, $0x38;
	[tilespmem:$0x1E900] =	vst v63  }
0x18: {  	_ =	swait.ge [sflag:s16], $0x2900  }
0x19: {  	[sflag:s16] =	ssyncset.done $0x0  }
0x1a: {  	s15 =	simm.s32 $0x200;
	s1 =	simm.s32 $0x0;
	[sflag:s16] =	ssyncadd.s32 $0xFFFFD700  }
.LBB2_2:
0x1b: {  	p0 =	sne.s32 s15, $0xFE00;
	[tilespmem:s1+$0x2D70] =	vst v0  }
0x1c: {  	[tilespmem:s1+$0x2D00] =	vst v0  }
0x1d: {  	[tilespmem:s1+$0x2D10] =	vst v0  }
.Ltmp0:
0x1e: {  	[tilespmem:s1+$0x2D20] =	vst v0;
	(pc) =	sbr.rel @p0 .LBB2_2-.Ltmp0, $4  }
0x1f: {  	[tilespmem:s1+$0x2D30] =	vst v0  }
0x20: {  	[tilespmem:s1+$0x2D40] =	vst v0  }
0x21: {  	[tilespmem:s1+$0x2D50] =	vst v0  }
0x22: {  	[tilespmem:s1+$0x2D60] =	vst v0;
	s1 =	sshra.s32 s15, $0x2;
	s15 =	sadd.s32 $0x200, s15  }
0x23: {  	[tilespmem:s1+$0x2D70] =	vst v0  }
0x24: {  	[tilespmem:s1+$0x2D00] =	vst v0  }
0x25: {  	[tilespmem:s1+$0x2D10] =	vst v0  }
0x26: {  	[tilespmem:s1+$0x2D20] =	vst v0  }
0x27: {  	[tilespmem:s1+$0x2D30] =	vst v0  }
0x28: {  	[tilespmem:s1+$0x2D40] =	vst v0  }
0x29: {  	[tilespmem:s1+$0x2D50] =	vst v0  }
0x2a: {  	[tilespmem:s1+$0x2D60] =	vst v0  }
0x2b: {  	[spmem:s5] =	stream.linear.scatter [tilespmem:s17], [sflag:$0x3], $0x4000, $0x38;
	[tilespmem:$0x1E900] =	vst v63  }
0x2c: {  	_ =	swait.ge [sflag:s16], $0x4000  }
0x2d: {  	[sflag:s16] =	ssyncset.done $0x0  }
0x2e: {  	[sflag:s16] =	ssyncadd.s32 $0xFFFFC000  }
0x2f: {  	[spmem:s7] =	stream.linear.scatter [tilespmem:s17], [sflag:$0x3], $0x4000, $0x38;
	[tilespmem:$0x1E900] =	vst v63  }
0x30: {  	_ =	swait.ge [sflag:s16], $0x4000  }
0x31: {  	[sflag:s16] =	ssyncset.done $0x0  }
0x32: {  	[sflag:s16] =	ssyncadd.s32 $0xFFFFC000  }
0x33: {  	[spmem:s8] =	stream.linear.scatter [tilespmem:s17], [sflag:$0x3], $0x4000, $0x38;
	[tilespmem:$0x1E900] =	vst v63  }
0x34: {  	_ =	swait.ge [sflag:s16], $0x4000  }
0x35: {  	[sflag:s16] =	ssyncset.done $0x0  }
0x36: {  	[sflag:s16] =	ssyncadd.s32 $0xFFFFC000  }
0x37: {  	[spmem:s9] =	stream.linear.scatter [tilespmem:s17], [sflag:$0x3], $0x4000, $0x38;
	[tilespmem:$0x1E900] =	vst v63  }
0x38: {  	_ =	swait.ge [sflag:s16], $0x4000  }
0x39: {  	[sflag:s16] =	ssyncset.done $0x0  }
0x3a: {  	[sflag:s16] =	ssyncadd.s32 $0xFFFFC000  }
0x3b: {  	[spmem:s10] =	stream.linear.scatter [tilespmem:s17], [sflag:$0x3], $0x3C00, $0x38;
	[tilespmem:$0x1E900] =	vst v63  }
0x3c: {  	_ =	swait.ge [sflag:s16], $0x3C00  }
0x3d: {  	[sflag:s16] =	ssyncset.done $0x0  }
0x3e: {  	[sflag:s16] =	ssyncadd.s32 $0xFFFFC400  }
0x3f: {  	s2 =	simm.s32 $0x0;
	[bflag:$0x0] =	sbarrier.arrive $0xFFFF  }
0x40: {  	[tilespmem:s17], [sflag:$0x1] =	stream.indirect.gather [hbm4b:s0+s14], $0x80, s2, s14, $0xb8;
	[tilespmem:$0x1E900] =	vst v63  }
0x41: {  	_ = 	snop  }
0x42: {  	[tilespmem:s18], [sflag:$0x2] =	stream.indirect.gather [hbm4b:s0+s14], $0x80, s14, s14, $0xb8;
	[tilespmem:$0x1E900] =	vst v63  }
0x43: {  	_ = 	snop  }
0x44: {  	[tilespmem:s19], [sflag:$0x3] =	stream.linear.gather [hbm4b:s13+s4], $0x400, $0x38;
	[tilespmem:$0x1E900] =	vst v63  }
0x45: {  	_ =	swait.ge [sflag:s16], $0x400  }
0x46: {  	[sflag:s16] =	ssyncset.done $0x0  }
0x47: {  	[sflag:s16] =	ssyncadd.s32 $0xFFFFFC00  }
0x48: {  	_ =	swait.ge [sflag:s20], $0x4000  }
0x49: {  	[sflag:s20] =	ssyncset.done $0x0  }
0x4a: {  	[sflag:s20] =	ssyncadd.s32 $0xFFFFC000  }
0x4b: {  	[spmem:s3] =	stream.indirect.scatter.add.f32 [tilespmem:s17], [sflag:$0x3], $0x80, s19, s14, $0xb8;
	[tilespmem:$0x1E900] =	vst v63  }
0x4c: {  	_ =	swait.ge [sflag:s16], $0x4000  }
0x4d: {  	[sflag:s16] =	ssyncset.done $0x0  }
0x4e: {  	s15 =	simm.s32 $0x100;
	[sflag:s16] =	ssyncadd.s32 $0xFFFFC000  }
0x4f: {  	[tilespmem:s17], [sflag:$0x1] =	stream.indirect.gather [hbm4b:s0+s14], $0x80, s15, s14, $0xb8;
	[tilespmem:$0x1E900] =	vst v63  }
0x50: {  	_ =	swait.ge [sflag:s21], $0x4000  }
0x51: {  	[sflag:s21] =	ssyncset.done $0x0  }
0x52: {  	[sflag:s21] =	ssyncadd.s32 $0xFFFFC000  }
0x53: {  	[spmem:s3] =	stream.indirect.scatter.add.f32 [tilespmem:s18], [sflag:$0x3], $0x80, s22, s14, $0xb8;
	[tilespmem:$0x1E900] =	vst v63  }
0x54: {  	_ =	swait.ge [sflag:s16], $0x4000  }
0x55: {  	[sflag:s16] =	ssyncset.done $0x0  }
0x56: {  	s2 =	simm.s32 $0x180;
	[sflag:s16] =	ssyncadd.s32 $0xFFFFC000  }
0x57: {  	[tilespmem:s18], [sflag:$0x2] =	stream.indirect.gather [hbm4b:s0+s14], $0x80, s2, s14, $0xb8;
	[tilespmem:$0x1E900] =	vst v63  }
0x58: {  	_ =	swait.ge [sflag:s20], $0x4000  }
0x59: {  	[sflag:s20] =	ssyncset.done $0x0  }
0x5a: {  	[sflag:s20] =	ssyncadd.s32 $0xFFFFC000  }
0x5b: {  	[spmem:s3] =	stream.indirect.scatter.add.f32 [tilespmem:s17], [sflag:$0x3], $0x80, s23, s14, $0xb8;
	[tilespmem:$0x1E900] =	vst v63  }
0x5c: {  	_ =	swait.ge [sflag:s16], $0x4000  }
0x5d: {  	[sflag:s16] =	ssyncset.done $0x0  }
0x5e: {  	s15 =	simm.s32 $0x200;
	[sflag:s16] =	ssyncadd.s32 $0xFFFFC000  }
0x5f: {  	[tilespmem:s17], [sflag:$0x1] =	stream.indirect.gather [hbm4b:s0+s14], $0x80, s15, s14, $0xb8;
	[tilespmem:$0x1E900] =	vst v63  }
0x60: {  	_ =	swait.ge [sflag:s21], $0x4000  }
0x61: {  	[sflag:s21] =	ssyncset.done $0x0  }
0x62: {  	[sflag:s21] =	ssyncadd.s32 $0xFFFFC000  }
0x63: {  	[spmem:s3] =	stream.indirect.scatter.add.f32 [tilespmem:s18], [sflag:$0x3], $0x80, s24, s14, $0xb8;
	[tilespmem:$0x1E900] =	vst v63  }
0x64: {  	_ =	swait.ge [sflag:s16], $0x4000  }
0x65: {  	[sflag:s16] =	ssyncset.done $0x0  }
0x66: {  	s2 =	simm.s32 $0x280;
	[sflag:s16] =	ssyncadd.s32 $0xFFFFC000  }
0x67: {  	[tilespmem:s18], [sflag:$0x2] =	stream.indirect.gather [hbm4b:s0+s14], $0x80, s2, s14, $0xb8;
	[tilespmem:$0x1E900] =	vst v63  }
0x68: {  	_ =	swait.ge [sflag:s20], $0x4000  }
0x69: {  	[sflag:s20] =	ssyncset.done $0x0  }
0x6a: {  	[sflag:s20] =	ssyncadd.s32 $0xFFFFC000  }
0x6b: {  	[spmem:s3] =	stream.indirect.scatter.add.f32 [tilespmem:s17], [sflag:$0x3], $0x80, s25, s14, $0xb8;
	[tilespmem:$0x1E900] =	vst v63  }
0x6c: {  	_ =	swait.ge [sflag:s16], $0x4000  }
0x6d: {  	[sflag:s16] =	ssyncset.done $0x0  }
0x6e: {  	s15 =	simm.s32 $0x300;
	[sflag:s16] =	ssyncadd.s32 $0xFFFFC000  }
0x6f: {  	[tilespmem:s17], [sflag:$0x1] =	stream.indirect.gather [hbm4b:s0+s14], $0x80, s15, s14, $0xb8;
	[tilespmem:$0x1E900] =	vst v63  }
0x70: {  	_ =	swait.ge [sflag:s21], $0x4000  }
0x71: {  	[sflag:s21] =	ssyncset.done $0x0  }
0x72: {  	[sflag:s21] =	ssyncadd.s32 $0xFFFFC000  }
0x73: {  	[spmem:s3] =	stream.indirect.scatter.add.f32 [tilespmem:s18], [sflag:$0x3], $0x80, s26, s14, $0xb8;
	[tilespmem:$0x1E900] =	vst v63  }
0x74: {  	_ =	swait.ge [sflag:s16], $0x4000  }
0x75: {  	[sflag:s16] =	ssyncset.done $0x0  }
0x76: {  	s2 =	simm.s32 $0x380;
	[sflag:s16] =	ssyncadd.s32 $0xFFFFC000  }
0x77: {  	[tilespmem:s18], [sflag:$0x2] =	stream.indirect.gather [hbm4b:s0+s14], $0x80, s2, s14, $0xb8;
	[tilespmem:$0x1E900] =	vst v63  }
0x78: {  	_ =	swait.ge [sflag:s20], $0x4000  }
0x79: {  	[sflag:s20] =	ssyncset.done $0x0  }
0x7a: {  	[sflag:s20] =	ssyncadd.s32 $0xFFFFC000  }
0x7b: {  	[spmem:s3] =	stream.indirect.scatter.add.f32 [tilespmem:s17], [sflag:$0x3], $0x80, s28, s14, $0xb8;
	[tilespmem:$0x1E900] =	vst v63  }
0x7c: {  	_ =	swait.ge [sflag:s16], $0x4000  }
0x7d: {  	[sflag:s16] =	ssyncset.done $0x0  }
0x7e: {  	s15 =	simm.s32 $0x400;
	[sflag:s16] =	ssyncadd.s32 $0xFFFFC000  }
0x7f: {  	[tilespmem:s17], [sflag:$0x1] =	stream.indirect.gather [hbm4b:s0+s14], $0x80, s15, s14, $0xb8;
	[tilespmem:$0x1E900] =	vst v63  }
0x80: {  	_ =	swait.ge [sflag:s21], $0x4000  }
0x81: {  	[sflag:s21] =	ssyncset.done $0x0  }
0x82: {  	[sflag:s21] =	ssyncadd.s32 $0xFFFFC000  }
0x83: {  	[spmem:s3] =	stream.indirect.scatter.add.f32 [tilespmem:s18], [sflag:$0x3], $0x80, s29, s14, $0xb8;
	[tilespmem:$0x1E900] =	vst v63  }
0x84: {  	_ =	swait.ge [sflag:s16], $0x4000  }
0x85: {  	s31 =	simm.s32 $0x1000;
	[sflag:s16] =	ssyncset.done $0x0  }
0x86: {  	s1 =	sadd.s32 $0x80, s13;
	s15 =	simm.s32 $0x480;
	[sflag:s16] =	ssyncadd.s32 $0xFFFFC000  }
.LBB2_4:
0x87: {  	[tilespmem:s18], [sflag:$0x2] =	stream.indirect.gather [hbm4b:s0+s14], $0x80, s15, s14, $0xb8;
	[tilespmem:$0x1E900] =	vst v63  }
0x88: {  	p0 =	sne.s32 s31, $0x9000;
	s15 =	smov.u32 s31;
	s31 =	sadd.s32 $0x1000, s31  }
0x89: {  	[tilespmem:s19], [sflag:$0x3] =	stream.linear.gather [hbm4b:s1+s4], $0x400, $0x38;
	[tilespmem:$0x1E900] =	vst v63  }
0x8a: {  	_ =	swait.ge [sflag:s16], $0x400  }
0x8b: {  	[sflag:s16] =	ssyncset.done $0x0  }
0x8c: {  	[sflag:s16] =	ssyncadd.s32 $0xFFFFFC00  }
0x8d: {  	_ =	swait.ge [sflag:s20], $0x4000  }
0x8e: {  	[sflag:s20] =	ssyncset.done $0x0  }
0x8f: {  	[sflag:s20] =	ssyncadd.s32 $0xFFFFC000  }
0x90: {  	[spmem:s3] =	stream.indirect.scatter.add.f32 [tilespmem:s17], [sflag:$0x3], $0x80, s19, s14, $0xb8;
	[tilespmem:$0x1E900] =	vst v63  }
0x91: {  	_ =	swait.ge [sflag:s16], $0x4000  }
0x92: {  	s15 =	sshra.s32 s15, $0x2;
	[sflag:s16] =	ssyncset.done $0x0  }
0x93: {  	s2 =	sadd.s32 $0x100, s15;
	[sflag:s16] =	ssyncadd.s32 $0xFFFFC000  }
0x94: {  	[tilespmem:s17], [sflag:$0x1] =	stream.indirect.gather [hbm4b:s0+s14], $0x80, s2, s14, $0xb8;
	[tilespmem:$0x1E900] =	vst v63  }
0x95: {  	_ =	swait.ge [sflag:s21], $0x4000  }
0x96: {  	[sflag:s21] =	ssyncset.done $0x0  }
0x97: {  	[sflag:s21] =	ssyncadd.s32 $0xFFFFC000  }
0x98: {  	[spmem:s3] =	stream.indirect.scatter.add.f32 [tilespmem:s18], [sflag:$0x3], $0x80, s22, s14, $0xb8;
	[tilespmem:$0x1E900] =	vst v63  }
0x99: {  	_ =	swait.ge [sflag:s16], $0x4000  }
0x9a: {  	[sflag:s16] =	ssyncset.done $0x0  }
0x9b: {  	s2 =	sadd.s32 $0x180, s15;
	[sflag:s16] =	ssyncadd.s32 $0xFFFFC000  }
0x9c: {  	[tilespmem:s18], [sflag:$0x2] =	stream.indirect.gather [hbm4b:s0+s14], $0x80, s2, s14, $0xb8;
	[tilespmem:$0x1E900] =	vst v63  }
0x9d: {  	_ =	swait.ge [sflag:s20], $0x4000  }
0x9e: {  	[sflag:s20] =	ssyncset.done $0x0  }
0x9f: {  	[sflag:s20] =	ssyncadd.s32 $0xFFFFC000  }
0xa0: {  	[spmem:s3] =	stream.indirect.scatter.add.f32 [tilespmem:s17], [sflag:$0x3], $0x80, s23, s14, $0xb8;
	[tilespmem:$0x1E900] =	vst v63  }
0xa1: {  	_ =	swait.ge [sflag:s16], $0x4000  }
0xa2: {  	[sflag:s16] =	ssyncset.done $0x0  }
0xa3: {  	s2 =	sadd.s32 $0x200, s15;
	[sflag:s16] =	ssyncadd.s32 $0xFFFFC000  }
0xa4: {  	[tilespmem:s17], [sflag:$0x1] =	stream.indirect.gather [hbm4b:s0+s14], $0x80, s2, s14, $0xb8;
	[tilespmem:$0x1E900] =	vst v63  }
0xa5: {  	_ =	swait.ge [sflag:s21], $0x4000  }
0xa6: {  	[sflag:s21] =	ssyncset.done $0x0  }
0xa7: {  	[sflag:s21] =	ssyncadd.s32 $0xFFFFC000  }
0xa8: {  	[spmem:s3] =	stream.indirect.scatter.add.f32 [tilespmem:s18], [sflag:$0x3], $0x80, s24, s14, $0xb8;
	[tilespmem:$0x1E900] =	vst v63  }
0xa9: {  	_ =	swait.ge [sflag:s16], $0x4000  }
0xaa: {  	[sflag:s16] =	ssyncset.done $0x0  }
0xab: {  	s2 =	sadd.s32 $0x280, s15;
	[sflag:s16] =	ssyncadd.s32 $0xFFFFC000  }
0xac: {  	[tilespmem:s18], [sflag:$0x2] =	stream.indirect.gather [hbm4b:s0+s14], $0x80, s2, s14, $0xb8;
	[tilespmem:$0x1E900] =	vst v63  }
0xad: {  	_ =	swait.ge [sflag:s20], $0x4000  }
0xae: {  	[sflag:s20] =	ssyncset.done $0x0  }
0xaf: {  	[sflag:s20] =	ssyncadd.s32 $0xFFFFC000  }
0xb0: {  	[spmem:s3] =	stream.indirect.scatter.add.f32 [tilespmem:s17], [sflag:$0x3], $0x80, s25, s14, $0xb8;
	[tilespmem:$0x1E900] =	vst v63  }
0xb1: {  	_ =	swait.ge [sflag:s16], $0x4000  }
0xb2: {  	[sflag:s16] =	ssyncset.done $0x0  }
0xb3: {  	s2 =	sadd.s32 $0x300, s15;
	[sflag:s16] =	ssyncadd.s32 $0xFFFFC000  }
0xb4: {  	[tilespmem:s17], [sflag:$0x1] =	stream.indirect.gather [hbm4b:s0+s14], $0x80, s2, s14, $0xb8;
	[tilespmem:$0x1E900] =	vst v63  }
0xb5: {  	_ =	swait.ge [sflag:s21], $0x4000  }
0xb6: {  	[sflag:s21] =	ssyncset.done $0x0  }
0xb7: {  	[sflag:s21] =	ssyncadd.s32 $0xFFFFC000  }
0xb8: {  	[spmem:s3] =	stream.indirect.scatter.add.f32 [tilespmem:s18], [sflag:$0x3], $0x80, s26, s14, $0xb8;
	[tilespmem:$0x1E900] =	vst v63  }
0xb9: {  	_ =	swait.ge [sflag:s16], $0x4000  }
0xba: {  	[sflag:s16] =	ssyncset.done $0x0  }
0xbb: {  	s2 =	sadd.s32 $0x380, s15;
	[sflag:s16] =	ssyncadd.s32 $0xFFFFC000  }
0xbc: {  	[tilespmem:s18], [sflag:$0x2] =	stream.indirect.gather [hbm4b:s0+s14], $0x80, s2, s14, $0xb8;
	[tilespmem:$0x1E900] =	vst v63  }
0xbd: {  	_ =	swait.ge [sflag:s20], $0x4000  }
0xbe: {  	[sflag:s20] =	ssyncset.done $0x0  }
0xbf: {  	[sflag:s20] =	ssyncadd.s32 $0xFFFFC000  }
0xc0: {  	[spmem:s3] =	stream.indirect.scatter.add.f32 [tilespmem:s17], [sflag:$0x3], $0x80, s28, s14, $0xb8;
	[tilespmem:$0x1E900] =	vst v63  }
0xc1: {  	_ =	swait.ge [sflag:s16], $0x4000  }
0xc2: {  	[sflag:s16] =	ssyncset.done $0x0  }
0xc3: {  	s2 =	sadd.s32 $0x400, s15;
	[sflag:s16] =	ssyncadd.s32 $0xFFFFC000  }
0xc4: {  	[tilespmem:s17], [sflag:$0x1] =	stream.indirect.gather [hbm4b:s0+s14], $0x80, s2, s14, $0xb8;
	[tilespmem:$0x1E900] =	vst v63  }
0xc5: {  	_ =	swait.ge [sflag:s21], $0x4000  }
0xc6: {  	[sflag:s21] =	ssyncset.done $0x0  }
.Ltmp1:
0xc7: {  	[sflag:s21] =	ssyncadd.s32 $0xFFFFC000;
	(pc) =	sbr.rel @p0 .LBB2_4-.Ltmp1, $4  }
0xc8: {  	[spmem:s3] =	stream.indirect.scatter.add.f32 [tilespmem:s18], [sflag:$0x3], $0x80, s29, s14, $0xb8;
	[tilespmem:$0x1E900] =	vst v63  }
0xc9: {  	_ =	swait.ge [sflag:s16], $0x4000  }
0xca: {  	[sflag:s16] =	ssyncset.done $0x0  }
0xcb: {  	s1 =	sadd.s32 $0x80, s1;
	s15 =	sadd.s32 $0x480, s15;
	[sflag:s16] =	ssyncadd.s32 $0xFFFFC000  }
0xcc: {  	[tilespmem:s18], [sflag:$0x2] =	stream.indirect.gather [hbm4b:s0+s14], $0x80, s15, s14, $0xb8;
	[tilespmem:$0x1E900] =	vst v63  }
0xcd: {  	_ =	swait.ge [sflag:s20], $0x4000  }
0xce: {  	[sflag:s20] =	ssyncset.done $0x0  }
0xcf: {  	[sflag:s20] =	ssyncadd.s32 $0xFFFFC000  }
0xd0: {  	s1 =	stileid.u32;
	_ =	swait.ge [sflag:s21], $0x4000  }
0xd1: {  	s2 =	sshrl.u32 s5, $0x3;
	s30 =	sadd.s32 $0x1, s30;
	[sflag:s21] =	ssyncset.done $0x0  }
0xd2: {  	s1 =	sshll.u32 s1, $0x6;
	p0 =	sne.s32 s30, s12;
	[sflag:s21] =	ssyncadd.s32 $0xFFFFC000  }
.Ltmp2:
0xd3: {  	s1 =	sor.u32 $0x1C03, s1;
	[bflag:$0x0] =	sbarrier.arrive $0xFFFF;
	(pc) =	sbr.rel @p0 .LBB2_1-.Ltmp2, $4  }
0xd4: {  	[hbm:s11], [sflag:s1] =	dma.local [spmem:s2], $0x2780  }
0xd5: {  	_ =	swait.ge [sflag:s16], $0x2780  }
0xd6: {  	[sflag:s16] =	ssyncset.done $0x0  }
0xd7: {  	[sflag:s16] =	ssyncadd.s32 $0xFFFFD880  }
0xd8: {  	_ =	sfence.sel $0x180000  }
0xd9: {  	[bflag:$0x0] =	sbarrier.arrive $0xFFFF  }
0xda: {  	_ =	strace $0x90000047  }
0xdb: {  	s0 =	stileid.u32;
	[bflag:$0x2] =	sbarrier.arrive $0xFFFF  }
0xdc: {  	p0 =	sne.s32 s0, $0x0;
	s0 =	rddreg [dreg:$0x4]  }
0xdd: {  	s0 =	sadd.s32 @!p0 $0x100000, s0  }
0xde: {  	[sflag:s0] =	ssyncadd.tile.s32 @!p0 $0x1;
	_ =	shalt  }
.Lfunc_end2:
_tile_overlayer_lowered:
.L_overlay_start_2:
0xdf: {  	(tag) =	ssettag $0x2  }
0xe0: {  	s0 =	rddreg [dreg:$0x0];
	s2 =	stileid.u32  }
0xe1: {  	s1 =	rddreg [dreg:$0x1];
	p0 =	sne.s32 s2, $0x0  }
0xe2: {  	s3 =	rddreg [dreg:$0x2];
	[bflag:$0x3] =	sbarrier.arrive $0xFFFF;
	s2 =	simm.s32 @!p0 $0x1C03  }
0xe3: {  	[timem:s3], [sflag:s2] =	dma.local @!p0 [hbm:s0], s1  }
0xe4: {  	s0 =	simm.s32 @!p0 $0x3  }
0xe5: {  	_ =	swait.ge @!p0 [sflag:s0], s1  }
0xe6: {  	s1 =	ssub.s32 @!p0 $0x0, s1;
	[sflag:s0] =	ssyncset.done @!p0 $0x0  }
0xe7: {  	[sflag:s0] =	ssyncadd.s32 @!p0 s1  }
0xe8: {  	[bflag:$0x3] =	sbarrier.arrive $0xFFFF  }
0xe9: {  	_ =	shalt  }

</sc_bundles>
